<compile_context>
chip_gen: v7x
topology: tpu7x:2x2x1
jax: 0.10.2.dev20260603
libtpu: 0.0.44.dev20260713+nightly
codegen_flags: <defaults>
</compile_context>

<pallas_src>
import functools

import jax
import jax.numpy as jnp
from jax import lax
from jax.experimental import pallas as pl
from jax.experimental.pallas import tpu as pltpu
from jax.experimental.pallas import tpu_sc as plsc

K = 150
STR = 161
TAB = 24160
SSTR = 150
STAB = 22504
NW = 32
WPB = 4
KC = 15
HB = 8


def _make_sc_kernel(Bc, Hc, Wc):
    npix = Bc * Hc * Wc
    ppw = npix // NW
    hpw = ppw // Wc
    nhb = hpw // HB
    nkb = K // KC
    ngroups = Wc // 16
    ngq = HB * ngroups
    mesh = plsc.VectorSubcoreMesh(core_axis_name="c", subcore_axis_name="s")

    @functools.partial(
        pl.kernel,
        mesh=mesh,
        compiler_params=pltpu.CompilerParams(needs_layout_passes=False),
        out_type=jax.ShapeDtypeStruct((Bc, K, Hc, Wc), jnp.float32),
        scratch_types=[
            pltpu.VMEM((TAB,), jnp.float32),
            pltpu.VMEM((TAB,), jnp.float32),
            pltpu.VMEM((STAB,), jnp.float32),
            pltpu.VMEM((ppw,), jnp.int32),
            pltpu.VMEM((ppw,), jnp.int32),
            pltpu.VMEM((ngq, 16), jnp.float32),
            pltpu.VMEM((KC, HB, Wc), jnp.float32),
            pltpu.VMEM((KC, HB, Wc), jnp.float32),
            pltpu.SemaphoreType.DMA,
            pltpu.SemaphoreType.DMA,
        ],
    )
    def sc_kernel(a_hbm, b_hbm, s_hbm, xt_hbm, x0_hbm, out_hbm,
                  a_v, b_v, s_v, xt_v, x0_v, inv_v, ob0, ob1, sem0, sem1):
        cid = lax.axis_index("c")
        sid = lax.axis_index("s")
        wid = sid * 2 + cid
        batch = wid // WPB
        h0 = (wid % WPB) * hpw
        row0 = wid * ppw
        pltpu.sync_copy(a_hbm.at[pl.ds(batch * TAB, TAB)], a_v)
        pltpu.sync_copy(b_hbm.at[pl.ds(batch * TAB, TAB)], b_v)
        pltpu.sync_copy(s_hbm.at[pl.ds(batch * STAB, STAB)], s_v)
        pltpu.sync_copy(xt_hbm.at[pl.ds(row0, ppw)], xt_v)
        pltpu.sync_copy(x0_hbm.at[pl.ds(row0, ppw)], x0_v)

        def do_chunk(kb, hb, obuf, sem):
            k0 = kb * KC
            pblk = hb * (HB * Wc)
            dst = out_hbm.at[batch, pl.ds(k0, KC), pl.ds(h0 + hb * HB, HB), :]
            ci = hb * nkb + kb

            @pl.when(ci >= 2)
            def _wait_prev():
                pltpu.make_async_copy(obuf, dst, sem).wait()

            def do_row(hr, carry2):
                prow = pblk + hr * Wc
                xts, x0s, invs = [], [], []
                for g in range(ngroups):
                    xts.append(xt_v[pl.ds(prow + g * 16, 16)])
                    x0s.append(x0_v[pl.ds(prow + g * 16, 16)])
                    invs.append(inv_v[hr * ngroups + g, pl.ds(0, 16)])

                @plsc.parallel_loop(0, KC, unroll=1)
                def _do_cat(cl):
                    coff = (k0 + cl) * STR
                    for g in range(ngroups):
                        av = plsc.load_gather(a_v, [xts[g] + coff])
                        bv = plsc.load_gather(b_v, [x0s[g] + coff])
                        obuf[cl, hr, pl.ds(g * 16, 16)] = av * bv * invs[g]

                return carry2

            lax.fori_loop(0, HB, do_row, 0)
            pltpu.async_copy(obuf, dst, sem)

        def hblock_body(hb, carry):
            pblk = hb * (HB * Wc)

            def build_inv(q, carry2):
                xt_vec = xt_v[pl.ds(pblk + q * 16, 16)]
                x0_vec = x0_v[pl.ds(pblk + q * 16, 16)]
                den = plsc.load_gather(s_v, [xt_vec * SSTR + x0_vec])
                inv_v[q, pl.ds(0, 16)] = 1.0 / (den + 1e-10)
                return carry2

            lax.fori_loop(0, ngq, build_inv, 0, unroll=4)

            def kb_pair(p, carry2):
                do_chunk(2 * p, hb, ob0, sem0)
                do_chunk(2 * p + 1, hb, ob1, sem1)
                return carry2

            lax.fori_loop(0, nkb // 2, kb_pair, 0)
            return carry

        lax.fori_loop(0, nhb, hblock_body, 0)
        last = out_hbm.at[batch, pl.ds(0, KC), pl.ds(h0, HB), :]
        pltpu.make_async_copy(ob0, last, sem0).wait()
        pltpu.make_async_copy(ob1, last, sem1).wait()

    return sc_kernel


def kernel(x_0, x_t, t, Q_t, Q_bar):
    Bc, Hc, Wc = x_0.shape
    Kc = Q_t.shape[-1]
    npix = Bc * Hc * Wc
    tt = t.astype(jnp.int32)
    Qt_sel = Q_t[tt]
    tm1 = jnp.clip(tt - 1, 0, None)
    Qb_sel = Q_bar[tm1]
    eye = jnp.eye(Kc, dtype=jnp.float32)
    is0 = (tt == 0)[:, None, None]
    Qb_sel = jnp.where(is0, eye[None], Qb_sel)
    s_tab = jnp.einsum("bki,bkj->bij", Qt_sel, Qb_sel)

    def flatten(tabs, stride, total):
        padded = jnp.pad(tabs, ((0, 0), (0, 0), (0, stride - Kc)))
        flat = padded.reshape(Bc, Kc * stride)
        flat = jnp.pad(flat, ((0, 0), (0, total - Kc * stride)))
        return flat.reshape(Bc * total)

    a_tab = flatten(Qt_sel, STR, TAB)
    b_tab = flatten(Qb_sel, STR, TAB)
    s_flat = flatten(s_tab, SSTR, STAB)
    xt_flat = x_t.reshape(npix).astype(jnp.int32)
    x0_flat = x_0.reshape(npix).astype(jnp.int32)
    out = _make_sc_kernel(Bc, Hc, Wc)(a_tab, b_tab, s_flat, xt_flat, x0_flat)
    out = lax.optimization_barrier(out)
    return jnp.transpose(out, (0, 2, 3, 1))

# --- scband reference (transcript-rebuilt; emitter-appended) ---
"""Pipeline reference for scband-discrete-noise-schedule-54812372632143 (READ-ONLY COPY).

The authoritative reference and input builder live on the scoring server;
editing this copy changes nothing except your own understanding.
"""

import jax, jax.numpy as jnp
import numpy as np

T = 100
K = 150
B, H, W = 8, 128, 128


def _build_schedule():
    steps = np.arange(T + 1, dtype=np.float64) / T
    alpha_bar = np.cos((steps + 0.008) / 1.008 * np.pi / 2) ** 2
    betas = np.clip(1 - alpha_bar[1:] / alpha_bar[:-1], 0, 0.999)
    Q = np.zeros((T, K, K), dtype=np.float64)
    eye = np.eye(K, dtype=np.float64)
    ones = np.ones((K, K), dtype=np.float64)
    for t in range(T):
        b = betas[t]
        Q[t] = (1 - b) * eye + (b / K) * ones
    Q_bar = np.zeros_like(Q)
    Q_bar[0] = Q[0]
    for t in range(1, T):
        Q_bar[t] = Q_bar[t - 1] @ Q[t]
    return Q.astype(np.float32), Q_bar.astype(np.float32)


def setup_inputs(seed: int = 0) -> dict:
    key = jax.random.key(seed)
    k0, k1, k2 = jax.random.split(key, 3)
    x_0 = jax.random.randint(k0, (B, H, W), 0, K, dtype=jnp.int64 if jax.config.jax_enable_x64 else jnp.int32)
    x_t = jax.random.randint(k1, (B, H, W), 0, K, dtype=jnp.int64 if jax.config.jax_enable_x64 else jnp.int32)
    t = jax.random.randint(k2, (B,), 0, T, dtype=jnp.int64 if jax.config.jax_enable_x64 else jnp.int32)
    Q_np, Q_bar_np = _build_schedule()
    return {
        "x_0": x_0,
        "x_t": x_t,
        "t": t,
        "Q_t": jnp.asarray(Q_np),
        "Q_bar": jnp.asarray(Q_bar_np),
    }


def reference(x_0, x_t, t, Q_t, Q_bar):
    # q_posterior: q(x_{t-1} | x_t, x_0) for D3PM with uniform transitions.
    Bc, Hc, Wc = x_0.shape
    Kc = Q_t.shape[-1]
    Q_t_cur = Q_t[t]                                  # (B, K, K)
    t_minus_1 = jnp.clip(t - 1, 0, None)
    Q_bar_prev = Q_bar[t_minus_1]                     # (B, K, K)
    is_t0 = (t == 0).astype(jnp.float32).reshape(Bc, 1, 1)
    Q_bar_prev = is_t0 * jnp.eye(Kc, dtype=jnp.float32)[None] + (1.0 - is_t0) * Q_bar_prev
    x_0_oh = jax.nn.one_hot(x_0, Kc, dtype=jnp.float32)
    x_t_oh = jax.nn.one_hot(x_t, Kc, dtype=jnp.float32)
    x_0_flat = x_0_oh.reshape(Bc, Hc * Wc, Kc)
    x_t_flat = x_t_oh.reshape(Bc, Hc * Wc, Kc)
    # torch.bmm(x_0_flat, Q_bar_prev.transpose(1, 2))
    prob_xtm1_given_x0 = jnp.einsum("bnk,bjk->bnj", x_0_flat, Q_bar_prev).reshape(Bc, Hc, Wc, Kc)
    # torch.bmm(Q_t_cur, x_t_flat.transpose(1, 2)).transpose(1, 2)
    prob_xt_given_xtm1 = jnp.einsum("bij,bnj->bni", Q_t_cur, x_t_flat).reshape(Bc, Hc, Wc, Kc)
    unnormalized = prob_xt_given_xtm1 * prob_xtm1_given_x0
    posterior = unnormalized / (unnormalized.sum(axis=-1, keepdims=True) + 1e-10)
    return posterior

if __name__ == "__main__":
    import jax
    _d = setup_inputs()
    print(jax.jit(kernel)(*tuple(_d.values())))

</pallas_src>

<mosaic_0001>
#map = affine_map<(d0, d1) -> (0)>
#map1 = affine_map<(d0, d1) -> (0, 0, 0, 0)>
module attributes {stable_mosaic.version = 14 : i64} {
  func.func @sc_kernel(%arg0: i32, %arg1: i32, %arg2: memref<193280xf32, #tpu.memory_space<hbm>>, %arg3: memref<193280xf32, #tpu.memory_space<hbm>>, %arg4: memref<180032xf32, #tpu.memory_space<hbm>>, %arg5: memref<131072xi32, #tpu.memory_space<hbm>>, %arg6: memref<131072xi32, #tpu.memory_space<hbm>>, %arg7: memref<8x150x128x128xf32, #tpu.memory_space<hbm>>, %arg8: memref<24160xf32, #tpu.memory_space<vmem>>, %arg9: memref<24160xf32, #tpu.memory_space<vmem>>, %arg10: memref<22504xf32, #tpu.memory_space<vmem>>, %arg11: memref<4096xi32, #tpu.memory_space<vmem>>, %arg12: memref<4096xi32, #tpu.memory_space<vmem>>, %arg13: memref<64x16xf32, #tpu.memory_space<vmem>>, %arg14: memref<15x8x128xf32, #tpu.memory_space<vmem>>, %arg15: memref<15x8x128xf32, #tpu.memory_space<vmem>>, %arg16: memref<!tpu.dma_semaphore, #tpu.memory_space<semaphore_mem>>, %arg17: memref<!tpu.dma_semaphore, #tpu.memory_space<semaphore_mem>>) attributes {dimension_semantics = [#tpu.dimension_semantics<core_parallel>, #tpu.dimension_semantics<subcore_parallel>], iteration_bounds = array<i64: 2, 16>, scalar_prefetch = 0 : i64, scratch_operands = 10 : i64, tpu.core_type = #tpu.core_type<sc_vector_subcore>, window_params = [{transform_indices = #map}, {transform_indices = #map}, {transform_indices = #map}, {transform_indices = #map}, {transform_indices = #map}, {transform_indices = #map1}]} {
    %mul3A = arith.constant 2 : i32
    %mul3A_0 = arith.muli %arg1, %mul3A : i32
    %add3A = arith.addi %mul3A_0, %arg0 : i32
    %jit3A = arith.constant 4 : i32
    %div3A = arith.divsi %add3A, %jit3A : i32
    %sign3A = arith.constant 0 : i32
    %sign3A_1 = arith.cmpi sgt, %add3A, %sign3A : i32
    %sign3A_2 = arith.extui %sign3A_1 : i1 to i32
    %sign3A_3 = arith.constant 0 : i32
    %sign3A_4 = arith.cmpi slt, %add3A, %sign3A_3 : i32
    %sign3A_5 = arith.extui %sign3A_4 : i1 to i32
    %sign3A_6 = arith.subi %sign3A_2, %sign3A_5 : i32
    %sign3A_7 = arith.constant 0 : i32
    %sign3A_8 = arith.cmpi sgt, %jit3A, %sign3A_7 : i32
    %sign3A_9 = arith.extui %sign3A_8 : i1 to i32
    %sign3A_10 = arith.constant 0 : i32
    %sign3A_11 = arith.cmpi slt, %jit3A, %sign3A_10 : i32
    %sign3A_12 = arith.extui %sign3A_11 : i1 to i32
    %sign3A_13 = arith.subi %sign3A_9, %sign3A_12 : i32
    %ne3A = arith.cmpi ne, %sign3A_6, %sign3A_13 : i32
    %rem3A = arith.remsi %add3A, %jit3A : i32
    %ne3A_14 = arith.constant 0 : i32
    %ne3A_15 = arith.cmpi ne, %rem3A, %ne3A_14 : i32
    %and3A = arith.andi %ne3A, %ne3A_15 : i1
    %sub3A = arith.constant 1 : i32
    %sub3A_16 = arith.subi %div3A, %sub3A : i32
    %select_n3A = arith.select %and3A, %sub3A_16, %div3A : i32
    %jit3A_17 = arith.constant 4 : i32
    %eq3A = arith.constant 0 : i32
    %eq3A_18 = arith.cmpi eq, %jit3A_17, %eq3A : i32
    %jit3A_19 = arith.constant 1 : i32
    %select_n3A_20 = arith.select %eq3A_18, %jit3A_19, %jit3A_17 : i32
    %rem3A_21 = arith.remsi %add3A, %select_n3A_20 : i32
    %ne3A_22 = arith.constant 0 : i32
    %ne3A_23 = arith.cmpi ne, %rem3A_21, %ne3A_22 : i32
    %lt3A = arith.constant 0 : i32
    %lt3A_24 = arith.cmpi slt, %rem3A_21, %lt3A : i32
    %lt3A_25 = arith.constant 0 : i32
    %lt3A_26 = arith.cmpi slt, %select_n3A_20, %lt3A_25 : i32
    %ne3A_27 = arith.xori %lt3A_24, %lt3A_26 : i1
    %and3A_28 = arith.andi %ne3A_27, %ne3A_23 : i1
    %add3A_29 = arith.addi %rem3A_21, %select_n3A_20 : i32
    %select_n3A_30 = arith.select %and3A_28, %add3A_29, %rem3A_21 : i32
    %mul3A_31 = arith.constant 32 : i32
    %mul3A_32 = arith.muli %select_n3A_30, %mul3A_31 : i32
    %mul3A_33 = arith.constant 4096 : i32
    %mul3A_34 = arith.muli %add3A, %mul3A_33 : i32
    %mul3A_35 = arith.constant 24160 : i32
    %mul3A_36 = arith.muli %select_n3A, %mul3A_35 : i32
    "tpu.region"() ({
      %run_scoped3A = tpu.sem_alloc : memref<!tpu.dma_semaphore, #tpu.memory_space<semaphore_mem>>
      %dma_start3A = tpu.memref_slice %arg2[%mul3A_36] : memref<193280xf32, #tpu.memory_space<hbm>> -> memref<24160xf32, #tpu.memory_space<hbm>>
      %dma_start3A_61 = tpu.memref_slice %arg2[%mul3A_36] : memref<193280xf32, #tpu.memory_space<hbm>> -> memref<24160xf32, #tpu.memory_space<hbm>>
      tpu.enqueue_dma source(%dma_start3A_61 : memref<24160xf32, #tpu.memory_space<hbm>>) target(%arg8 : memref<24160xf32, #tpu.memory_space<vmem>>) target_semaphore(%run_scoped3A : memref<!tpu.dma_semaphore, #tpu.memory_space<semaphore_mem>>)
      %dma_wait3A_62 = tpu.memref_slice %arg2[%mul3A_36] : memref<193280xf32, #tpu.memory_space<hbm>> -> memref<24160xf32, #tpu.memory_space<hbm>>
      %dma_wait3A_63 = tpu.memref_slice %arg2[%mul3A_36] : memref<193280xf32, #tpu.memory_space<hbm>> -> memref<24160xf32, #tpu.memory_space<hbm>>
      tpu.wait_dma2 semaphore(%run_scoped3A : memref<!tpu.dma_semaphore, #tpu.memory_space<semaphore_mem>>) src(%dma_wait3A_63 : memref<24160xf32, #tpu.memory_space<hbm>>) dst(%arg8 : memref<24160xf32, #tpu.memory_space<vmem>>)
      tpu.yield
    }) : () -> ()
    %mul3A_37 = arith.constant 24160 : i32
    %mul3A_38 = arith.muli %select_n3A, %mul3A_37 : i32
    "tpu.region"() ({
      %run_scoped3A = tpu.sem_alloc : memref<!tpu.dma_semaphore, #tpu.memory_space<semaphore_mem>>
      %dma_start3A = tpu.memref_slice %arg3[%mul3A_38] : memref<193280xf32, #tpu.memory_space<hbm>> -> memref<24160xf32, #tpu.memory_space<hbm>>
      %dma_start3A_61 = tpu.memref_slice %arg3[%mul3A_38] : memref<193280xf32, #tpu.memory_space<hbm>> -> memref<24160xf32, #tpu.memory_space<hbm>>
      tpu.enqueue_dma source(%dma_start3A_61 : memref<24160xf32, #tpu.memory_space<hbm>>) target(%arg9 : memref<24160xf32, #tpu.memory_space<vmem>>) target_semaphore(%run_scoped3A : memref<!tpu.dma_semaphore, #tpu.memory_space<semaphore_mem>>)
      %dma_wait3A_62 = tpu.memref_slice %arg3[%mul3A_38] : memref<193280xf32, #tpu.memory_space<hbm>> -> memref<24160xf32, #tpu.memory_space<hbm>>
      %dma_wait3A_63 = tpu.memref_slice %arg3[%mul3A_38] : memref<193280xf32, #tpu.memory_space<hbm>> -> memref<24160xf32, #tpu.memory_space<hbm>>
      tpu.wait_dma2 semaphore(%run_scoped3A : memref<!tpu.dma_semaphore, #tpu.memory_space<semaphore_mem>>) src(%dma_wait3A_63 : memref<24160xf32, #tpu.memory_space<hbm>>) dst(%arg9 : memref<24160xf32, #tpu.memory_space<vmem>>)
      tpu.yield
    }) : () -> ()
    %mul3A_39 = arith.constant 22504 : i32
    %mul3A_40 = arith.muli %select_n3A, %mul3A_39 : i32
    "tpu.region"() ({
      %run_scoped3A = tpu.sem_alloc : memref<!tpu.dma_semaphore, #tpu.memory_space<semaphore_mem>>
      %dma_start3A = tpu.memref_slice %arg4[%mul3A_40] : memref<180032xf32, #tpu.memory_space<hbm>> -> memref<22504xf32, #tpu.memory_space<hbm>>
      %dma_start3A_61 = tpu.memref_slice %arg4[%mul3A_40] : memref<180032xf32, #tpu.memory_space<hbm>> -> memref<22504xf32, #tpu.memory_space<hbm>>
      tpu.enqueue_dma source(%dma_start3A_61 : memref<22504xf32, #tpu.memory_space<hbm>>) target(%arg10 : memref<22504xf32, #tpu.memory_space<vmem>>) target_semaphore(%run_scoped3A : memref<!tpu.dma_semaphore, #tpu.memory_space<semaphore_mem>>)
      %dma_wait3A_62 = tpu.memref_slice %arg4[%mul3A_40] : memref<180032xf32, #tpu.memory_space<hbm>> -> memref<22504xf32, #tpu.memory_space<hbm>>
      %dma_wait3A_63 = tpu.memref_slice %arg4[%mul3A_40] : memref<180032xf32, #tpu.memory_space<hbm>> -> memref<22504xf32, #tpu.memory_space<hbm>>
      tpu.wait_dma2 semaphore(%run_scoped3A : memref<!tpu.dma_semaphore, #tpu.memory_space<semaphore_mem>>) src(%dma_wait3A_63 : memref<22504xf32, #tpu.memory_space<hbm>>) dst(%arg10 : memref<22504xf32, #tpu.memory_space<vmem>>)
      tpu.yield
    }) : () -> ()
    "tpu.region"() ({
      %run_scoped3A = tpu.sem_alloc : memref<!tpu.dma_semaphore, #tpu.memory_space<semaphore_mem>>
      %dma_start3A = tpu.memref_slice %arg5[%mul3A_34] : memref<131072xi32, #tpu.memory_space<hbm>> -> memref<4096xi32, #tpu.memory_space<hbm>>
      %dma_start3A_61 = tpu.memref_slice %arg5[%mul3A_34] : memref<131072xi32, #tpu.memory_space<hbm>> -> memref<4096xi32, #tpu.memory_space<hbm>>
      tpu.enqueue_dma source(%dma_start3A_61 : memref<4096xi32, #tpu.memory_space<hbm>>) target(%arg11 : memref<4096xi32, #tpu.memory_space<vmem>>) target_semaphore(%run_scoped3A : memref<!tpu.dma_semaphore, #tpu.memory_space<semaphore_mem>>)
      %dma_wait3A_62 = tpu.memref_slice %arg5[%mul3A_34] : memref<131072xi32, #tpu.memory_space<hbm>> -> memref<4096xi32, #tpu.memory_space<hbm>>
      %dma_wait3A_63 = tpu.memref_slice %arg5[%mul3A_34] : memref<131072xi32, #tpu.memory_space<hbm>> -> memref<4096xi32, #tpu.memory_space<hbm>>
      tpu.wait_dma2 semaphore(%run_scoped3A : memref<!tpu.dma_semaphore, #tpu.memory_space<semaphore_mem>>) src(%dma_wait3A_63 : memref<4096xi32, #tpu.memory_space<hbm>>) dst(%arg11 : memref<4096xi32, #tpu.memory_space<vmem>>)
      tpu.yield
    }) : () -> ()
    "tpu.region"() ({
      %run_scoped3A = tpu.sem_alloc : memref<!tpu.dma_semaphore, #tpu.memory_space<semaphore_mem>>
      %dma_start3A = tpu.memref_slice %arg6[%mul3A_34] : memref<131072xi32, #tpu.memory_space<hbm>> -> memref<4096xi32, #tpu.memory_space<hbm>>
      %dma_start3A_61 = tpu.memref_slice %arg6[%mul3A_34] : memref<131072xi32, #tpu.memory_space<hbm>> -> memref<4096xi32, #tpu.memory_space<hbm>>
      tpu.enqueue_dma source(%dma_start3A_61 : memref<4096xi32, #tpu.memory_space<hbm>>) target(%arg12 : memref<4096xi32, #tpu.memory_space<vmem>>) target_semaphore(%run_scoped3A : memref<!tpu.dma_semaphore, #tpu.memory_space<semaphore_mem>>)
      %dma_wait3A_62 = tpu.memref_slice %arg6[%mul3A_34] : memref<131072xi32, #tpu.memory_space<hbm>> -> memref<4096xi32, #tpu.memory_space<hbm>>
      %dma_wait3A_63 = tpu.memref_slice %arg6[%mul3A_34] : memref<131072xi32, #tpu.memory_space<hbm>> -> memref<4096xi32, #tpu.memory_space<hbm>>
      tpu.wait_dma2 semaphore(%run_scoped3A : memref<!tpu.dma_semaphore, #tpu.memory_space<semaphore_mem>>) src(%dma_wait3A_63 : memref<4096xi32, #tpu.memory_space<hbm>>) dst(%arg12 : memref<4096xi32, #tpu.memory_space<vmem>>)
      tpu.yield
    }) : () -> ()
    %scan3A = arith.constant 0 : i32
    %scan3A_41 = arith.constant 0 : i32
    %scan3A_42 = arith.constant 4 : i32
    %scan3A_43 = arith.addi %scan3A_41, %scan3A_42 : i32
    %scan3A_44 = arith.constant 1 : i32
    scf.for %scan3A_61 = %scan3A_41 to %scan3A_43 step %scan3A_44  : i32 {
      %mul3A_62 = arith.constant 1024 : i32
      %mul3A_63 = arith.muli %scan3A_61, %mul3A_62 : i32
      %scan3A_64 = arith.constant 0 : i32
      %scan3A_65 = arith.constant 0 : i32
      %scan3A_66 = arith.constant 64 : i32
      %scan3A_67 = arith.addi %scan3A_65, %scan3A_66 : i32
      %scan3A_68 = arith.constant 4 : i32
      scf.for %scan3A_76 = %scan3A_65 to %scan3A_67 step %scan3A_68  : i32 {
        %mul3A_77 = arith.constant 16 : i32
        %mul3A_78 = arith.muli %scan3A_76, %mul3A_77 : i32
        %add3A_79 = arith.addi %mul3A_63, %mul3A_78 : i32
        %get3A = arith.index_cast %add3A_79 : i32 to index
        %get3A_80 = tpu.vector_load %arg11[%get3A] {strides = array<i32>} : memref<4096xi32, #tpu.memory_space<vmem>>, vector<16xi32>,
        %mul3A_81 = arith.constant 16 : i32
        %mul3A_82 = arith.muli %scan3A_76, %mul3A_81 : i32
        %add3A_83 = arith.addi %mul3A_63, %mul3A_82 : i32
        %get3A_84 = arith.index_cast %add3A_83 : i32 to index
        %get3A_85 = tpu.vector_load %arg12[%get3A_84] {strides = array<i32>} : memref<4096xi32, #tpu.memory_space<vmem>>, vector<16xi32>,
        %mul3A_86 = arith.constant 150 : i32
        %mul3A_87 = vector.broadcast %mul3A_86 : i32 to vector<16xi32>
        %mul3A_88 = arith.muli %get3A_80, %mul3A_87 : vector<16xi32>
        %add3A_89 = arith.addi %mul3A_88, %get3A_85 : vector<16xi32>
        %gather3A = tpu.vector_load_idx %arg10[%add3A_89] : memref<22504xf32, #tpu.memory_space<vmem>>[vector<16xi32>], vector<16xf32>,
        %add3A_90 = arith.constant 1.000000e-10 : f32
        %add3A_91 = vector.broadcast %add3A_90 : f32 to vector<16xf32>
        %add3A_92 = arith.addf %gather3A, %add3A_91 : vector<16xf32>
        %div3A_93 = arith.constant 1.000000e+00 : f32
        %div3A_94 = vector.broadcast %div3A_93 : f32 to vector<16xf32>
        %div3A_95 = arith.divf %div3A_94, %add3A_92 : vector<16xf32>
        %swap3A = arith.index_cast %scan3A_76 : i32 to index
        %swap3A_96 = arith.constant 0 : index
        %swap3A_97 = tpu.vector_load %arg13[%swap3A, %swap3A_96] {strides = array<i32>} : memref<64x16xf32, #tpu.memory_space<vmem>>, vector<16xf32>,
        tpu.vector_store %arg13[%swap3A, %swap3A_96], %div3A_95 {strides = array<i32>} : memref<64x16xf32, #tpu.memory_space<vmem>>, vector<16xf32>,
        %scan3A_98 = arith.constant 1 : i32
        %scan3A_99 = arith.addi %scan3A_76, %scan3A_98 : i32
        %mul3A_100 = arith.constant 16 : i32
        %mul3A_101 = arith.muli %scan3A_99, %mul3A_100 : i32
        %add3A_102 = arith.addi %mul3A_63, %mul3A_101 : i32
        %get3A_103 = arith.index_cast %add3A_102 : i32 to index
        %get3A_104 = tpu.vector_load %arg11[%get3A_103] {strides = array<i32>} : memref<4096xi32, #tpu.memory_space<vmem>>, vector<16xi32>,
        %mul3A_105 = arith.constant 16 : i32
        %mul3A_106 = arith.muli %scan3A_99, %mul3A_105 : i32
        %add3A_107 = arith.addi %mul3A_63, %mul3A_106 : i32
        %get3A_108 = arith.index_cast %add3A_107 : i32 to index
        %get3A_109 = tpu.vector_load %arg12[%get3A_108] {strides = array<i32>} : memref<4096xi32, #tpu.memory_space<vmem>>, vector<16xi32>,
        %mul3A_110 = arith.constant 150 : i32
        %mul3A_111 = vector.broadcast %mul3A_110 : i32 to vector<16xi32>
        %mul3A_112 = arith.muli %get3A_104, %mul3A_111 : vector<16xi32>
        %add3A_113 = arith.addi %mul3A_112, %get3A_109 : vector<16xi32>
        %gather3A_114 = tpu.vector_load_idx %arg10[%add3A_113] : memref<22504xf32, #tpu.memory_space<vmem>>[vector<16xi32>], vector<16xf32>,
        %add3A_115 = arith.constant 1.000000e-10 : f32
        %add3A_116 = vector.broadcast %add3A_115 : f32 to vector<16xf32>
        %add3A_117 = arith.addf %gather3A_114, %add3A_116 : vector<16xf32>
        %div3A_118 = arith.constant 1.000000e+00 : f32
        %div3A_119 = vector.broadcast %div3A_118 : f32 to vector<16xf32>
        %div3A_120 = arith.divf %div3A_119, %add3A_117 : vector<16xf32>
        %swap3A_121 = arith.index_cast %scan3A_99 : i32 to index
        %swap3A_122 = arith.constant 0 : index
        %swap3A_123 = tpu.vector_load %arg13[%swap3A_121, %swap3A_122] {strides = array<i32>} : memref<64x16xf32, #tpu.memory_space<vmem>>, vector<16xf32>,
        tpu.vector_store %arg13[%swap3A_121, %swap3A_122], %div3A_120 {strides = array<i32>} : memref<64x16xf32, #tpu.memory_space<vmem>>, vector<16xf32>,
        %scan3A_124 = arith.constant 2 : i32
        %scan3A_125 = arith.addi %scan3A_76, %scan3A_124 : i32
        %mul3A_126 = arith.constant 16 : i32
        %mul3A_127 = arith.muli %scan3A_125, %mul3A_126 : i32
        %add3A_128 = arith.addi %mul3A_63, %mul3A_127 : i32
        %get3A_129 = arith.index_cast %add3A_128 : i32 to index
        %get3A_130 = tpu.vector_load %arg11[%get3A_129] {strides = array<i32>} : memref<4096xi32, #tpu.memory_space<vmem>>, vector<16xi32>,
        %mul3A_131 = arith.constant 16 : i32
        %mul3A_132 = arith.muli %scan3A_125, %mul3A_131 : i32
        %add3A_133 = arith.addi %mul3A_63, %mul3A_132 : i32
        %get3A_134 = arith.index_cast %add3A_133 : i32 to index
        %get3A_135 = tpu.vector_load %arg12[%get3A_134] {strides = array<i32>} : memref<4096xi32, #tpu.memory_space<vmem>>, vector<16xi32>,
        %mul3A_136 = arith.constant 150 : i32
        %mul3A_137 = vector.broadcast %mul3A_136 : i32 to vector<16xi32>
        %mul3A_138 = arith.muli %get3A_130, %mul3A_137 : vector<16xi32>
        %add3A_139 = arith.addi %mul3A_138, %get3A_135 : vector<16xi32>
        %gather3A_140 = tpu.vector_load_idx %arg10[%add3A_139] : memref<22504xf32, #tpu.memory_space<vmem>>[vector<16xi32>], vector<16xf32>,
        %add3A_141 = arith.constant 1.000000e-10 : f32
        %add3A_142 = vector.broadcast %add3A_141 : f32 to vector<16xf32>
        %add3A_143 = arith.addf %gather3A_140, %add3A_142 : vector<16xf32>
        %div3A_144 = arith.constant 1.000000e+00 : f32
        %div3A_145 = vector.broadcast %div3A_144 : f32 to vector<16xf32>
        %div3A_146 = arith.divf %div3A_145, %add3A_143 : vector<16xf32>
        %swap3A_147 = arith.index_cast %scan3A_125 : i32 to index
        %swap3A_148 = arith.constant 0 : index
        %swap3A_149 = tpu.vector_load %arg13[%swap3A_147, %swap3A_148] {strides = array<i32>} : memref<64x16xf32, #tpu.memory_space<vmem>>, vector<16xf32>,
        tpu.vector_store %arg13[%swap3A_147, %swap3A_148], %div3A_146 {strides = array<i32>} : memref<64x16xf32, #tpu.memory_space<vmem>>, vector<16xf32>,
        %scan3A_150 = arith.constant 3 : i32
        %scan3A_151 = arith.addi %scan3A_76, %scan3A_150 : i32
        %mul3A_152 = arith.constant 16 : i32
        %mul3A_153 = arith.muli %scan3A_151, %mul3A_152 : i32
        %add3A_154 = arith.addi %mul3A_63, %mul3A_153 : i32
        %get3A_155 = arith.index_cast %add3A_154 : i32 to index
        %get3A_156 = tpu.vector_load %arg11[%get3A_155] {strides = array<i32>} : memref<4096xi32, #tpu.memory_space<vmem>>, vector<16xi32>,
        %mul3A_157 = arith.constant 16 : i32
        %mul3A_158 = arith.muli %scan3A_151, %mul3A_157 : i32
        %add3A_159 = arith.addi %mul3A_63, %mul3A_158 : i32
        %get3A_160 = arith.index_cast %add3A_159 : i32 to index
        %get3A_161 = tpu.vector_load %arg12[%get3A_160] {strides = array<i32>} : memref<4096xi32, #tpu.memory_space<vmem>>, vector<16xi32>,
        %mul3A_162 = arith.constant 150 : i32
        %mul3A_163 = vector.broadcast %mul3A_162 : i32 to vector<16xi32>
        %mul3A_164 = arith.muli %get3A_156, %mul3A_163 : vector<16xi32>
        %add3A_165 = arith.addi %mul3A_164, %get3A_161 : vector<16xi32>
        %gather3A_166 = tpu.vector_load_idx %arg10[%add3A_165] : memref<22504xf32, #tpu.memory_space<vmem>>[vector<16xi32>], vector<16xf32>,
        %add3A_167 = arith.constant 1.000000e-10 : f32
        %add3A_168 = vector.broadcast %add3A_167 : f32 to vector<16xf32>
        %add3A_169 = arith.addf %gather3A_166, %add3A_168 : vector<16xf32>
        %div3A_170 = arith.constant 1.000000e+00 : f32
        %div3A_171 = vector.broadcast %div3A_170 : f32 to vector<16xf32>
        %div3A_172 = arith.divf %div3A_171, %add3A_169 : vector<16xf32>
        %swap3A_173 = arith.index_cast %scan3A_151 : i32 to index
        %swap3A_174 = arith.constant 0 : index
        %swap3A_175 = tpu.vector_load %arg13[%swap3A_173, %swap3A_174] {strides = array<i32>} : memref<64x16xf32, #tpu.memory_space<vmem>>, vector<16xf32>,
        tpu.vector_store %arg13[%swap3A_173, %swap3A_174], %div3A_172 {strides = array<i32>} : memref<64x16xf32, #tpu.memory_space<vmem>>, vector<16xf32>,
      }
      %scan3A_69 = arith.constant 64 : i32
      %scan3A_70 = arith.constant 0 : i32
      %scan3A_71 = arith.constant 0 : i32
      %scan3A_72 = arith.constant 5 : i32
      %scan3A_73 = arith.addi %scan3A_71, %scan3A_72 : i32
      %scan3A_74 = arith.constant 1 : i32
      scf.for %scan3A_76 = %scan3A_71 to %scan3A_73 step %scan3A_74  : i32 {
        %mul3A_77 = arith.constant 2 : i32
        %mul3A_78 = arith.muli %mul3A_77, %scan3A_76 : i32
        %mul3A_79 = arith.constant 15 : i32
        %mul3A_80 = arith.muli %mul3A_78, %mul3A_79 : i32
        %mul3A_81 = arith.constant 1024 : i32
        %mul3A_82 = arith.muli %scan3A_61, %mul3A_81 : i32
        %mul3A_83 = arith.constant 8 : i32
        %mul3A_84 = arith.muli %scan3A_61, %mul3A_83 : i32
        %add3A_85 = arith.addi %mul3A_32, %mul3A_84 : i32
        %mul3A_86 = arith.constant 10 : i32
        %mul3A_87 = arith.muli %scan3A_61, %mul3A_86 : i32
        %add3A_88 = arith.addi %mul3A_87, %mul3A_78 : i32
        %ge3A = arith.constant 2 : i32
        %ge3A_89 = arith.cmpi sge, %add3A_88, %ge3A : i32
        %convert_element_type3A = arith.extui %ge3A_89 : i1 to i32
        %cond3A = arith.constant 0 : i32
        %cond3A_90 = arith.cmpi ne, %convert_element_type3A, %cond3A : i32
        scf.if %cond3A_90 {
          %dma_wait3A_133 = arith.constant 0 : i32
          %dma_wait3A_134 = tpu.memref_slice %arg7[%select_n3A, %mul3A_80, %add3A_85, %dma_wait3A_133] : memref<8x150x128x128xf32, #tpu.memory_space<hbm>> -> memref<1x15x8x128xf32, #tpu.memory_space<hbm>>
          %dma_wait3A_135 = tpu.memref_squeeze %dma_wait3A_134 : memref<1x15x8x128xf32, #tpu.memory_space<hbm>> -> memref<15x8x128xf32, #tpu.memory_space<hbm>>
          %dma_wait3A_136 = arith.constant 0 : i32
          %dma_wait3A_137 = tpu.memref_slice %arg7[%select_n3A, %mul3A_80, %add3A_85, %dma_wait3A_136] : memref<8x150x128x128xf32, #tpu.memory_space<hbm>> -> memref<1x15x8x128xf32, #tpu.memory_space<hbm>>
          %dma_wait3A_138 = tpu.memref_squeeze %dma_wait3A_137 : memref<1x15x8x128xf32, #tpu.memory_space<hbm>> -> memref<15x8x128xf32, #tpu.memory_space<hbm>>
          tpu.wait_dma2 semaphore(%arg16 : memref<!tpu.dma_semaphore, #tpu.memory_space<semaphore_mem>>) src(%arg14 : memref<15x8x128xf32, #tpu.memory_space<vmem>>) dst(%dma_wait3A_138 : memref<15x8x128xf32, #tpu.memory_space<hbm>>)
        } else {
        }
        %scan3A_91 = arith.constant 0 : i32
        %scan3A_92 = arith.constant 0 : i32
        %scan3A_93 = arith.constant 8 : i32
        %scan3A_94 = arith.addi %scan3A_92, %scan3A_93 : i32
        %scan3A_95 = arith.constant 1 : i32
        scf.for %scan3A_133 = %scan3A_92 to %scan3A_94 step %scan3A_95  : i32 {
          %mul3A_134 = arith.constant 128 : i32
          %mul3A_135 = arith.muli %scan3A_133, %mul3A_134 : i32
          %add3A_136 = arith.addi %mul3A_82, %mul3A_135 : i32
          %add3A_137 = arith.constant 0 : i32
          %add3A_138 = arith.addi %add3A_136, %add3A_137 : i32
          %get3A = arith.index_cast %add3A_138 : i32 to index
          %get3A_139 = tpu.vector_load %arg11[%get3A] {strides = array<i32>} : memref<4096xi32, #tpu.memory_space<vmem>>, vector<16xi32>,
          %add3A_140 = arith.constant 0 : i32
          %add3A_141 = arith.addi %add3A_136, %add3A_140 : i32
          %get3A_142 = arith.index_cast %add3A_141 : i32 to index
          %get3A_143 = tpu.vector_load %arg12[%get3A_142] {strides = array<i32>} : memref<4096xi32, #tpu.memory_space<vmem>>, vector<16xi32>,
          %mul3A_144 = arith.constant 8 : i32
          %mul3A_145 = arith.muli %scan3A_133, %mul3A_144 : i32
          %add3A_146 = arith.constant 0 : i32
          %add3A_147 = arith.addi %mul3A_145, %add3A_146 : i32
          %get3A_148 = arith.index_cast %add3A_147 : i32 to index
          %get3A_149 = arith.constant 0 : index
          %get3A_150 = tpu.vector_load %arg13[%get3A_148, %get3A_149] {strides = array<i32>} : memref<64x16xf32, #tpu.memory_space<vmem>>, vector<16xf32>,
          %add3A_151 = arith.constant 16 : i32
          %add3A_152 = arith.addi %add3A_136, %add3A_151 : i32
          %get3A_153 = arith.index_cast %add3A_152 : i32 to index
          %get3A_154 = tpu.vector_load %arg11[%get3A_153] {strides = array<i32>} : memref<4096xi32, #tpu.memory_space<vmem>>, vector<16xi32>,
          %add3A_155 = arith.constant 16 : i32
          %add3A_156 = arith.addi %add3A_136, %add3A_155 : i32
          %get3A_157 = arith.index_cast %add3A_156 : i32 to index
          %get3A_158 = tpu.vector_load %arg12[%get3A_157] {strides = array<i32>} : memref<4096xi32, #tpu.memory_space<vmem>>, vector<16xi32>,
          %mul3A_159 = arith.constant 8 : i32
          %mul3A_160 = arith.muli %scan3A_133, %mul3A_159 : i32
          %add3A_161 = arith.constant 1 : i32
          %add3A_162 = arith.addi %mul3A_160, %add3A_161 : i32
          %get3A_163 = arith.index_cast %add3A_162 : i32 to index
          %get3A_164 = arith.constant 0 : index
          %get3A_165 = tpu.vector_load %arg13[%get3A_163, %get3A_164] {strides = array<i32>} : memref<64x16xf32, #tpu.memory_space<vmem>>, vector<16xf32>,
          %add3A_166 = arith.constant 32 : i32
          %add3A_167 = arith.addi %add3A_136, %add3A_166 : i32
          %get3A_168 = arith.index_cast %add3A_167 : i32 to index
          %get3A_169 = tpu.vector_load %arg11[%get3A_168] {strides = array<i32>} : memref<4096xi32, #tpu.memory_space<vmem>>, vector<16xi32>,
          %add3A_170 = arith.constant 32 : i32
          %add3A_171 = arith.addi %add3A_136, %add3A_170 : i32
          %get3A_172 = arith.index_cast %add3A_171 : i32 to index
          %get3A_173 = tpu.vector_load %arg12[%get3A_172] {strides = array<i32>} : memref<4096xi32, #tpu.memory_space<vmem>>, vector<16xi32>,
          %mul3A_174 = arith.constant 8 : i32
          %mul3A_175 = arith.muli %scan3A_133, %mul3A_174 : i32
          %add3A_176 = arith.constant 2 : i32
          %add3A_177 = arith.addi %mul3A_175, %add3A_176 : i32
          %get3A_178 = arith.index_cast %add3A_177 : i32 to index
          %get3A_179 = arith.constant 0 : index
          %get3A_180 = tpu.vector_load %arg13[%get3A_178, %get3A_179] {strides = array<i32>} : memref<64x16xf32, #tpu.memory_space<vmem>>, vector<16xf32>,
          %add3A_181 = arith.constant 48 : i32
          %add3A_182 = arith.addi %add3A_136, %add3A_181 : i32
          %get3A_183 = arith.index_cast %add3A_182 : i32 to index
          %get3A_184 = tpu.vector_load %arg11[%get3A_183] {strides = array<i32>} : memref<4096xi32, #tpu.memory_space<vmem>>, vector<16xi32>,
          %add3A_185 = arith.constant 48 : i32
          %add3A_186 = arith.addi %add3A_136, %add3A_185 : i32
          %get3A_187 = arith.index_cast %add3A_186 : i32 to index
          %get3A_188 = tpu.vector_load %arg12[%get3A_187] {strides = array<i32>} : memref<4096xi32, #tpu.memory_space<vmem>>, vector<16xi32>,
          %mul3A_189 = arith.constant 8 : i32
          %mul3A_190 = arith.muli %scan3A_133, %mul3A_189 : i32
          %add3A_191 = arith.constant 3 : i32
          %add3A_192 = arith.addi %mul3A_190, %add3A_191 : i32
          %get3A_193 = arith.index_cast %add3A_192 : i32 to index
          %get3A_194 = arith.constant 0 : index
          %get3A_195 = tpu.vector_load %arg13[%get3A_193, %get3A_194] {strides = array<i32>} : memref<64x16xf32, #tpu.memory_space<vmem>>, vector<16xf32>,
          %add3A_196 = arith.constant 64 : i32
          %add3A_197 = arith.addi %add3A_136, %add3A_196 : i32
          %get3A_198 = arith.index_cast %add3A_197 : i32 to index
          %get3A_199 = tpu.vector_load %arg11[%get3A_198] {strides = array<i32>} : memref<4096xi32, #tpu.memory_space<vmem>>, vector<16xi32>,
          %add3A_200 = arith.constant 64 : i32
          %add3A_201 = arith.addi %add3A_136, %add3A_200 : i32
          %get3A_202 = arith.index_cast %add3A_201 : i32 to index
          %get3A_203 = tpu.vector_load %arg12[%get3A_202] {strides = array<i32>} : memref<4096xi32, #tpu.memory_space<vmem>>, vector<16xi32>,
          %mul3A_204 = arith.constant 8 : i32
          %mul3A_205 = arith.muli %scan3A_133, %mul3A_204 : i32
          %add3A_206 = arith.constant 4 : i32
          %add3A_207 = arith.addi %mul3A_205, %add3A_206 : i32
          %get3A_208 = arith.index_cast %add3A_207 : i32 to index
          %get3A_209 = arith.constant 0 : index
          %get3A_210 = tpu.vector_load %arg13[%get3A_208, %get3A_209] {strides = array<i32>} : memref<64x16xf32, #tpu.memory_space<vmem>>, vector<16xf32>,
          %add3A_211 = arith.constant 80 : i32
          %add3A_212 = arith.addi %add3A_136, %add3A_211 : i32
          %get3A_213 = arith.index_cast %add3A_212 : i32 to index
          %get3A_214 = tpu.vector_load %arg11[%get3A_213] {strides = array<i32>} : memref<4096xi32, #tpu.memory_space<vmem>>, vector<16xi32>,
          %add3A_215 = arith.constant 80 : i32
          %add3A_216 = arith.addi %add3A_136, %add3A_215 : i32
          %get3A_217 = arith.index_cast %add3A_216 : i32 to index
          %get3A_218 = tpu.vector_load %arg12[%get3A_217] {strides = array<i32>} : memref<4096xi32, #tpu.memory_space<vmem>>, vector<16xi32>,
          %mul3A_219 = arith.constant 8 : i32
          %mul3A_220 = arith.muli %scan3A_133, %mul3A_219 : i32
          %add3A_221 = arith.constant 5 : i32
          %add3A_222 = arith.addi %mul3A_220, %add3A_221 : i32
          %get3A_223 = arith.index_cast %add3A_222 : i32 to index
          %get3A_224 = arith.constant 0 : index
          %get3A_225 = tpu.vector_load %arg13[%get3A_223, %get3A_224] {strides = array<i32>} : memref<64x16xf32, #tpu.memory_space<vmem>>, vector<16xf32>,
          %add3A_226 = arith.constant 96 : i32
          %add3A_227 = arith.addi %add3A_136, %add3A_226 : i32
          %get3A_228 = arith.index_cast %add3A_227 : i32 to index
          %get3A_229 = tpu.vector_load %arg11[%get3A_228] {strides = array<i32>} : memref<4096xi32, #tpu.memory_space<vmem>>, vector<16xi32>,
          %add3A_230 = arith.constant 96 : i32
          %add3A_231 = arith.addi %add3A_136, %add3A_230 : i32
          %get3A_232 = arith.index_cast %add3A_231 : i32 to index
          %get3A_233 = tpu.vector_load %arg12[%get3A_232] {strides = array<i32>} : memref<4096xi32, #tpu.memory_space<vmem>>, vector<16xi32>,
          %mul3A_234 = arith.constant 8 : i32
          %mul3A_235 = arith.muli %scan3A_133, %mul3A_234 : i32
          %add3A_236 = arith.constant 6 : i32
          %add3A_237 = arith.addi %mul3A_235, %add3A_236 : i32
          %get3A_238 = arith.index_cast %add3A_237 : i32 to index
          %get3A_239 = arith.constant 0 : index
          %get3A_240 = tpu.vector_load %arg13[%get3A_238, %get3A_239] {strides = array<i32>} : memref<64x16xf32, #tpu.memory_space<vmem>>, vector<16xf32>,
          %add3A_241 = arith.constant 112 : i32
          %add3A_242 = arith.addi %add3A_136, %add3A_241 : i32
          %get3A_243 = arith.index_cast %add3A_242 : i32 to index
          %get3A_244 = tpu.vector_load %arg11[%get3A_243] {strides = array<i32>} : memref<4096xi32, #tpu.memory_space<vmem>>, vector<16xi32>,
          %add3A_245 = arith.constant 112 : i32
          %add3A_246 = arith.addi %add3A_136, %add3A_245 : i32
          %get3A_247 = arith.index_cast %add3A_246 : i32 to index
          %get3A_248 = tpu.vector_load %arg12[%get3A_247] {strides = array<i32>} : memref<4096xi32, #tpu.memory_space<vmem>>, vector<16xi32>,
          %mul3A_249 = arith.constant 8 : i32
          %mul3A_250 = arith.muli %scan3A_133, %mul3A_249 : i32
          %add3A_251 = arith.constant 7 : i32
          %add3A_252 = arith.addi %mul3A_250, %add3A_251 : i32
          %get3A_253 = arith.index_cast %add3A_252 : i32 to index
          %get3A_254 = arith.constant 0 : index
          %get3A_255 = tpu.vector_load %arg13[%get3A_253, %get3A_254] {strides = array<i32>} : memref<64x16xf32, #tpu.memory_space<vmem>>, vector<16xf32>,
          %parallel_loop3A = arith.constant 0 : i32
          %parallel_loop3A_256 = arith.constant 15 : i32
          %parallel_loop3A_257 = arith.constant 1 : i32
          scf.for %parallel_loop3A_258 = %parallel_loop3A to %parallel_loop3A_256 step %parallel_loop3A_257  : i32 {
            %parallel_loop3A_259 = arith.addi %mul3A_80, %parallel_loop3A_258 : i32
            %parallel_loop3A_260 = arith.constant 161 : i32
            %parallel_loop3A_261 = arith.muli %parallel_loop3A_259, %parallel_loop3A_260 : i32
            %parallel_loop3A_262 = vector.broadcast %parallel_loop3A_261 : i32 to vector<16xi32>
            %parallel_loop3A_263 = arith.addi %get3A_139, %parallel_loop3A_262 : vector<16xi32>
            %parallel_loop3A_264 = tpu.vector_load_idx %arg8[%parallel_loop3A_263] : memref<24160xf32, #tpu.memory_space<vmem>>[vector<16xi32>], vector<16xf32>,
            %parallel_loop3A_265 = vector.broadcast %parallel_loop3A_261 : i32 to vector<16xi32>
            %parallel_loop3A_266 = arith.addi %get3A_143, %parallel_loop3A_265 : vector<16xi32>
            %parallel_loop3A_267 = tpu.vector_load_idx %arg9[%parallel_loop3A_266] : memref<24160xf32, #tpu.memory_space<vmem>>[vector<16xi32>], vector<16xf32>,
            %parallel_loop3A_268 = arith.mulf %parallel_loop3A_264, %parallel_loop3A_267 : vector<16xf32>
            %parallel_loop3A_269 = arith.mulf %parallel_loop3A_268, %get3A_150 : vector<16xf32>
            %parallel_loop3A_270 = arith.index_cast %parallel_loop3A_258 : i32 to index
            %parallel_loop3A_271 = arith.index_cast %scan3A_133 : i32 to index
            %parallel_loop3A_272 = arith.constant 0 : index
            %parallel_loop3A_273 = tpu.vector_load %arg14[%parallel_loop3A_270, %parallel_loop3A_271, %parallel_loop3A_272] {strides = array<i32>} : memref<15x8x128xf32, #tpu.memory_space<vmem>>, vector<16xf32>,
            tpu.vector_store %arg14[%parallel_loop3A_270, %parallel_loop3A_271, %parallel_loop3A_272], %parallel_loop3A_269 {strides = array<i32>} : memref<15x8x128xf32, #tpu.memory_space<vmem>>, vector<16xf32>,
            %parallel_loop3A_274 = vector.broadcast %parallel_loop3A_261 : i32 to vector<16xi32>
            %parallel_loop3A_275 = arith.addi %get3A_154, %parallel_loop3A_274 : vector<16xi32>
            %parallel_loop3A_276 = tpu.vector_load_idx %arg8[%parallel_loop3A_275] : memref<24160xf32, #tpu.memory_space<vmem>>[vector<16xi32>], vector<16xf32>,
            %parallel_loop3A_277 = vector.broadcast %parallel_loop3A_261 : i32 to vector<16xi32>
            %parallel_loop3A_278 = arith.addi %get3A_158, %parallel_loop3A_277 : vector<16xi32>
            %parallel_loop3A_279 = tpu.vector_load_idx %arg9[%parallel_loop3A_278] : memref<24160xf32, #tpu.memory_space<vmem>>[vector<16xi32>], vector<16xf32>,
            %parallel_loop3A_280 = arith.mulf %parallel_loop3A_276, %parallel_loop3A_279 : vector<16xf32>
            %parallel_loop3A_281 = arith.mulf %parallel_loop3A_280, %get3A_165 : vector<16xf32>
            %parallel_loop3A_282 = arith.index_cast %parallel_loop3A_258 : i32 to index
            %parallel_loop3A_283 = arith.index_cast %scan3A_133 : i32 to index
            %parallel_loop3A_284 = arith.constant 16 : index
            %parallel_loop3A_285 = tpu.vector_load %arg14[%parallel_loop3A_282, %parallel_loop3A_283, %parallel_loop3A_284] {strides = array<i32>} : memref<15x8x128xf32, #tpu.memory_space<vmem>>, vector<16xf32>,
            tpu.vector_store %arg14[%parallel_loop3A_282, %parallel_loop3A_283, %parallel_loop3A_284], %parallel_loop3A_281 {strides = array<i32>} : memref<15x8x128xf32, #tpu.memory_space<vmem>>, vector<16xf32>,
            %parallel_loop3A_286 = vector.broadcast %parallel_loop3A_261 : i32 to vector<16xi32>
            %parallel_loop3A_287 = arith.addi %get3A_169, %parallel_loop3A_286 : vector<16xi32>
            %parallel_loop3A_288 = tpu.vector_load_idx %arg8[%parallel_loop3A_287] : memref<24160xf32, #tpu.memory_space<vmem>>[vector<16xi32>], vector<16xf32>,
            %parallel_loop3A_289 = vector.broadcast %parallel_loop3A_261 : i32 to vector<16xi32>
            %parallel_loop3A_290 = arith.addi %get3A_173, %parallel_loop3A_289 : vector<16xi32>
            %parallel_loop3A_291 = tpu.vector_load_idx %arg9[%parallel_loop3A_290] : memref<24160xf32, #tpu.memory_space<vmem>>[vector<16xi32>], vector<16xf32>,
            %parallel_loop3A_292 = arith.mulf %parallel_loop3A_288, %parallel_loop3A_291 : vector<16xf32>
            %parallel_loop3A_293 = arith.mulf %parallel_loop3A_292, %get3A_180 : vector<16xf32>
            %parallel_loop3A_294 = arith.index_cast %parallel_loop3A_258 : i32 to index
            %parallel_loop3A_295 = arith.index_cast %scan3A_133 : i32 to index
            %parallel_loop3A_296 = arith.constant 32 : index
            %parallel_loop3A_297 = tpu.vector_load %arg14[%parallel_loop3A_294, %parallel_loop3A_295, %parallel_loop3A_296] {strides = array<i32>} : memref<15x8x128xf32, #tpu.memory_space<vmem>>, vector<16xf32>,
            tpu.vector_store %arg14[%parallel_loop3A_294, %parallel_loop3A_295, %parallel_loop3A_296], %parallel_loop3A_293 {strides = array<i32>} : memref<15x8x128xf32, #tpu.memory_space<vmem>>, vector<16xf32>,
            %parallel_loop3A_298 = vector.broadcast %parallel_loop3A_261 : i32 to vector<16xi32>
            %parallel_loop3A_299 = arith.addi %get3A_184, %parallel_loop3A_298 : vector<16xi32>
            %parallel_loop3A_300 = tpu.vector_load_idx %arg8[%parallel_loop3A_299] : memref<24160xf32, #tpu.memory_space<vmem>>[vector<16xi32>], vector<16xf32>,
            %parallel_loop3A_301 = vector.broadcast %parallel_loop3A_261 : i32 to vector<16xi32>
            %parallel_loop3A_302 = arith.addi %get3A_188, %parallel_loop3A_301 : vector<16xi32>
            %parallel_loop3A_303 = tpu.vector_load_idx %arg9[%parallel_loop3A_302] : memref<24160xf32, #tpu.memory_space<vmem>>[vector<16xi32>], vector<16xf32>,
            %parallel_loop3A_304 = arith.mulf %parallel_loop3A_300, %parallel_loop3A_303 : vector<16xf32>
            %parallel_loop3A_305 = arith.mulf %parallel_loop3A_304, %get3A_195 : vector<16xf32>
            %parallel_loop3A_306 = arith.index_cast %parallel_loop3A_258 : i32 to index
            %parallel_loop3A_307 = arith.index_cast %scan3A_133 : i32 to index
            %parallel_loop3A_308 = arith.constant 48 : index
            %parallel_loop3A_309 = tpu.vector_load %arg14[%parallel_loop3A_306, %parallel_loop3A_307, %parallel_loop3A_308] {strides = array<i32>} : memref<15x8x128xf32, #tpu.memory_space<vmem>>, vector<16xf32>,
            tpu.vector_store %arg14[%parallel_loop3A_306, %parallel_loop3A_307, %parallel_loop3A_308], %parallel_loop3A_305 {strides = array<i32>} : memref<15x8x128xf32, #tpu.memory_space<vmem>>, vector<16xf32>,
            %parallel_loop3A_310 = vector.broadcast %parallel_loop3A_261 : i32 to vector<16xi32>
            %parallel_loop3A_311 = arith.addi %get3A_199, %parallel_loop3A_310 : vector<16xi32>
            %parallel_loop3A_312 = tpu.vector_load_idx %arg8[%parallel_loop3A_311] : memref<24160xf32, #tpu.memory_space<vmem>>[vector<16xi32>], vector<16xf32>,
            %parallel_loop3A_313 = vector.broadcast %parallel_loop3A_261 : i32 to vector<16xi32>
            %parallel_loop3A_314 = arith.addi %get3A_203, %parallel_loop3A_313 : vector<16xi32>
            %parallel_loop3A_315 = tpu.vector_load_idx %arg9[%parallel_loop3A_314] : memref<24160xf32, #tpu.memory_space<vmem>>[vector<16xi32>], vector<16xf32>,
            %parallel_loop3A_316 = arith.mulf %parallel_loop3A_312, %parallel_loop3A_315 : vector<16xf32>
            %parallel_loop3A_317 = arith.mulf %parallel_loop3A_316, %get3A_210 : vector<16xf32>
            %parallel_loop3A_318 = arith.index_cast %parallel_loop3A_258 : i32 to index
            %parallel_loop3A_319 = arith.index_cast %scan3A_133 : i32 to index
            %parallel_loop3A_320 = arith.constant 64 : index
            %parallel_loop3A_321 = tpu.vector_load %arg14[%parallel_loop3A_318, %parallel_loop3A_319, %parallel_loop3A_320] {strides = array<i32>} : memref<15x8x128xf32, #tpu.memory_space<vmem>>, vector<16xf32>,
            tpu.vector_store %arg14[%parallel_loop3A_318, %parallel_loop3A_319, %parallel_loop3A_320], %parallel_loop3A_317 {strides = array<i32>} : memref<15x8x128xf32, #tpu.memory_space<vmem>>, vector<16xf32>,
            %parallel_loop3A_322 = vector.broadcast %parallel_loop3A_261 : i32 to vector<16xi32>
            %parallel_loop3A_323 = arith.addi %get3A_214, %parallel_loop3A_322 : vector<16xi32>
            %parallel_loop3A_324 = tpu.vector_load_idx %arg8[%parallel_loop3A_323] : memref<24160xf32, #tpu.memory_space<vmem>>[vector<16xi32>], vector<16xf32>,
            %parallel_loop3A_325 = vector.broadcast %parallel_loop3A_261 : i32 to vector<16xi32>
            %parallel_loop3A_326 = arith.addi %get3A_218, %parallel_loop3A_325 : vector<16xi32>
            %parallel_loop3A_327 = tpu.vector_load_idx %arg9[%parallel_loop3A_326] : memref<24160xf32, #tpu.memory_space<vmem>>[vector<16xi32>], vector<16xf32>,
            %parallel_loop3A_328 = arith.mulf %parallel_loop3A_324, %parallel_loop3A_327 : vector<16xf32>
            %parallel_loop3A_329 = arith.mulf %parallel_loop3A_328, %get3A_225 : vector<16xf32>
            %parallel_loop3A_330 = arith.index_cast %parallel_loop3A_258 : i32 to index
            %parallel_loop3A_331 = arith.index_cast %scan3A_133 : i32 to index
            %parallel_loop3A_332 = arith.constant 80 : index
            %parallel_loop3A_333 = tpu.vector_load %arg14[%parallel_loop3A_330, %parallel_loop3A_331, %parallel_loop3A_332] {strides = array<i32>} : memref<15x8x128xf32, #tpu.memory_space<vmem>>, vector<16xf32>,
            tpu.vector_store %arg14[%parallel_loop3A_330, %parallel_loop3A_331, %parallel_loop3A_332], %parallel_loop3A_329 {strides = array<i32>} : memref<15x8x128xf32, #tpu.memory_space<vmem>>, vector<16xf32>,
            %parallel_loop3A_334 = vector.broadcast %parallel_loop3A_261 : i32 to vector<16xi32>
            %parallel_loop3A_335 = arith.addi %get3A_229, %parallel_loop3A_334 : vector<16xi32>
            %parallel_loop3A_336 = tpu.vector_load_idx %arg8[%parallel_loop3A_335] : memref<24160xf32, #tpu.memory_space<vmem>>[vector<16xi32>], vector<16xf32>,
            %parallel_loop3A_337 = vector.broadcast %parallel_loop3A_261 : i32 to vector<16xi32>
            %parallel_loop3A_338 = arith.addi %get3A_233, %parallel_loop3A_337 : vector<16xi32>
            %parallel_loop3A_339 = tpu.vector_load_idx %arg9[%parallel_loop3A_338] : memref<24160xf32, #tpu.memory_space<vmem>>[vector<16xi32>], vector<16xf32>,
            %parallel_loop3A_340 = arith.mulf %parallel_loop3A_336, %parallel_loop3A_339 : vector<16xf32>
            %parallel_loop3A_341 = arith.mulf %parallel_loop3A_340, %get3A_240 : vector<16xf32>
            %parallel_loop3A_342 = arith.index_cast %parallel_loop3A_258 : i32 to index
            %parallel_loop3A_343 = arith.index_cast %scan3A_133 : i32 to index
            %parallel_loop3A_344 = arith.constant 96 : index
            %parallel_loop3A_345 = tpu.vector_load %arg14[%parallel_loop3A_342, %parallel_loop3A_343, %parallel_loop3A_344] {strides = array<i32>} : memref<15x8x128xf32, #tpu.memory_space<vmem>>, vector<16xf32>,
            tpu.vector_store %arg14[%parallel_loop3A_342, %parallel_loop3A_343, %parallel_loop3A_344], %parallel_loop3A_341 {strides = array<i32>} : memref<15x8x128xf32, #tpu.memory_space<vmem>>, vector<16xf32>,
            %parallel_loop3A_346 = vector.broadcast %parallel_loop3A_261 : i32 to vector<16xi32>
            %parallel_loop3A_347 = arith.addi %get3A_244, %parallel_loop3A_346 : vector<16xi32>
            %parallel_loop3A_348 = tpu.vector_load_idx %arg8[%parallel_loop3A_347] : memref<24160xf32, #tpu.memory_space<vmem>>[vector<16xi32>], vector<16xf32>,
            %parallel_loop3A_349 = vector.broadcast %parallel_loop3A_261 : i32 to vector<16xi32>
            %parallel_loop3A_350 = arith.addi %get3A_248, %parallel_loop3A_349 : vector<16xi32>
            %parallel_loop3A_351 = tpu.vector_load_idx %arg9[%parallel_loop3A_350] : memref<24160xf32, #tpu.memory_space<vmem>>[vector<16xi32>], vector<16xf32>,
            %parallel_loop3A_352 = arith.mulf %parallel_loop3A_348, %parallel_loop3A_351 : vector<16xf32>
            %parallel_loop3A_353 = arith.mulf %parallel_loop3A_352, %get3A_255 : vector<16xf32>
            %parallel_loop3A_354 = arith.index_cast %parallel_loop3A_258 : i32 to index
            %parallel_loop3A_355 = arith.index_cast %scan3A_133 : i32 to index
            %parallel_loop3A_356 = arith.constant 112 : index
            %parallel_loop3A_357 = tpu.vector_load %arg14[%parallel_loop3A_354, %parallel_loop3A_355, %parallel_loop3A_356] {strides = array<i32>} : memref<15x8x128xf32, #tpu.memory_space<vmem>>, vector<16xf32>,
            tpu.vector_store %arg14[%parallel_loop3A_354, %parallel_loop3A_355, %parallel_loop3A_356], %parallel_loop3A_353 {strides = array<i32>} : memref<15x8x128xf32, #tpu.memory_space<vmem>>, vector<16xf32>,
          } {sc.loop_unroll_factor = 1 : i64, sc.parallel_access}
        }
        %scan3A_96 = arith.constant 8 : i32
        %dma_start3A = arith.constant 0 : i32
        %dma_start3A_97 = tpu.memref_slice %arg7[%select_n3A, %mul3A_80, %add3A_85, %dma_start3A] : memref<8x150x128x128xf32, #tpu.memory_space<hbm>> -> memref<1x15x8x128xf32, #tpu.memory_space<hbm>>
        %dma_start3A_98 = tpu.memref_squeeze %dma_start3A_97 : memref<1x15x8x128xf32, #tpu.memory_space<hbm>> -> memref<15x8x128xf32, #tpu.memory_space<hbm>>
        %dma_start3A_99 = arith.constant 0 : i32
        %dma_start3A_100 = tpu.memref_slice %arg7[%select_n3A, %mul3A_80, %add3A_85, %dma_start3A_99] : memref<8x150x128x128xf32, #tpu.memory_space<hbm>> -> memref<1x15x8x128xf32, #tpu.memory_space<hbm>>
        %dma_start3A_101 = tpu.memref_squeeze %dma_start3A_100 : memref<1x15x8x128xf32, #tpu.memory_space<hbm>> -> memref<15x8x128xf32, #tpu.memory_space<hbm>>
        tpu.enqueue_dma source(%arg14 : memref<15x8x128xf32, #tpu.memory_space<vmem>>) target(%dma_start3A_101 : memref<15x8x128xf32, #tpu.memory_space<hbm>>) target_semaphore(%arg16 : memref<!tpu.dma_semaphore, #tpu.memory_space<semaphore_mem>>)
        %mul3A_102 = arith.constant 2 : i32
        %mul3A_103 = arith.muli %mul3A_102, %scan3A_76 : i32
        %add3A_104 = arith.constant 1 : i32
        %add3A_105 = arith.addi %mul3A_103, %add3A_104 : i32
        %mul3A_106 = arith.constant 15 : i32
        %mul3A_107 = arith.muli %add3A_105, %mul3A_106 : i32
        %mul3A_108 = arith.constant 1024 : i32
        %mul3A_109 = arith.muli %scan3A_61, %mul3A_108 : i32
        %mul3A_110 = arith.constant 8 : i32
        %mul3A_111 = arith.muli %scan3A_61, %mul3A_110 : i32
        %add3A_112 = arith.addi %mul3A_32, %mul3A_111 : i32
        %mul3A_113 = arith.constant 10 : i32
        %mul3A_114 = arith.muli %scan3A_61, %mul3A_113 : i32
        %add3A_115 = arith.addi %mul3A_114, %add3A_105 : i32
        %ge3A_116 = arith.constant 2 : i32
        %ge3A_117 = arith.cmpi sge, %add3A_115, %ge3A_116 : i32
        %convert_element_type3A_118 = arith.extui %ge3A_117 : i1 to i32
        %cond3A_119 = arith.constant 0 : i32
        %cond3A_120 = arith.cmpi ne, %convert_element_type3A_118, %cond3A_119 : i32
        scf.if %cond3A_120 {
          %dma_wait3A_133 = arith.constant 0 : i32
          %dma_wait3A_134 = tpu.memref_slice %arg7[%select_n3A, %mul3A_107, %add3A_112, %dma_wait3A_133] : memref<8x150x128x128xf32, #tpu.memory_space<hbm>> -> memref<1x15x8x128xf32, #tpu.memory_space<hbm>>
          %dma_wait3A_135 = tpu.memref_squeeze %dma_wait3A_134 : memref<1x15x8x128xf32, #tpu.memory_space<hbm>> -> memref<15x8x128xf32, #tpu.memory_space<hbm>>
          %dma_wait3A_136 = arith.constant 0 : i32
          %dma_wait3A_137 = tpu.memref_slice %arg7[%select_n3A, %mul3A_107, %add3A_112, %dma_wait3A_136] : memref<8x150x128x128xf32, #tpu.memory_space<hbm>> -> memref<1x15x8x128xf32, #tpu.memory_space<hbm>>
          %dma_wait3A_138 = tpu.memref_squeeze %dma_wait3A_137 : memref<1x15x8x128xf32, #tpu.memory_space<hbm>> -> memref<15x8x128xf32, #tpu.memory_space<hbm>>
          tpu.wait_dma2 semaphore(%arg17 : memref<!tpu.dma_semaphore, #tpu.memory_space<semaphore_mem>>) src(%arg15 : memref<15x8x128xf32, #tpu.memory_space<vmem>>) dst(%dma_wait3A_138 : memref<15x8x128xf32, #tpu.memory_space<hbm>>)
        } else {
        }
        %scan3A_121 = arith.constant 0 : i32
        %scan3A_122 = arith.constant 0 : i32
        %scan3A_123 = arith.constant 8 : i32
        %scan3A_124 = arith.addi %scan3A_122, %scan3A_123 : i32
        %scan3A_125 = arith.constant 1 : i32
        scf.for %scan3A_133 = %scan3A_122 to %scan3A_124 step %scan3A_125  : i32 {
          %mul3A_134 = arith.constant 128 : i32
          %mul3A_135 = arith.muli %scan3A_133, %mul3A_134 : i32
          %add3A_136 = arith.addi %mul3A_109, %mul3A_135 : i32
          %add3A_137 = arith.constant 0 : i32
          %add3A_138 = arith.addi %add3A_136, %add3A_137 : i32
          %get3A = arith.index_cast %add3A_138 : i32 to index
          %get3A_139 = tpu.vector_load %arg11[%get3A] {strides = array<i32>} : memref<4096xi32, #tpu.memory_space<vmem>>, vector<16xi32>,
          %add3A_140 = arith.constant 0 : i32
          %add3A_141 = arith.addi %add3A_136, %add3A_140 : i32
          %get3A_142 = arith.index_cast %add3A_141 : i32 to index
          %get3A_143 = tpu.vector_load %arg12[%get3A_142] {strides = array<i32>} : memref<4096xi32, #tpu.memory_space<vmem>>, vector<16xi32>,
          %mul3A_144 = arith.constant 8 : i32
          %mul3A_145 = arith.muli %scan3A_133, %mul3A_144 : i32
          %add3A_146 = arith.constant 0 : i32
          %add3A_147 = arith.addi %mul3A_145, %add3A_146 : i32
          %get3A_148 = arith.index_cast %add3A_147 : i32 to index
          %get3A_149 = arith.constant 0 : index
          %get3A_150 = tpu.vector_load %arg13[%get3A_148, %get3A_149] {strides = array<i32>} : memref<64x16xf32, #tpu.memory_space<vmem>>, vector<16xf32>,
          %add3A_151 = arith.constant 16 : i32
          %add3A_152 = arith.addi %add3A_136, %add3A_151 : i32
          %get3A_153 = arith.index_cast %add3A_152 : i32 to index
          %get3A_154 = tpu.vector_load %arg11[%get3A_153] {strides = array<i32>} : memref<4096xi32, #tpu.memory_space<vmem>>, vector<16xi32>,
          %add3A_155 = arith.constant 16 : i32
          %add3A_156 = arith.addi %add3A_136, %add3A_155 : i32
          %get3A_157 = arith.index_cast %add3A_156 : i32 to index
          %get3A_158 = tpu.vector_load %arg12[%get3A_157] {strides = array<i32>} : memref<4096xi32, #tpu.memory_space<vmem>>, vector<16xi32>,
          %mul3A_159 = arith.constant 8 : i32
          %mul3A_160 = arith.muli %scan3A_133, %mul3A_159 : i32
          %add3A_161 = arith.constant 1 : i32
          %add3A_162 = arith.addi %mul3A_160, %add3A_161 : i32
          %get3A_163 = arith.index_cast %add3A_162 : i32 to index
          %get3A_164 = arith.constant 0 : index
          %get3A_165 = tpu.vector_load %arg13[%get3A_163, %get3A_164] {strides = array<i32>} : memref<64x16xf32, #tpu.memory_space<vmem>>, vector<16xf32>,
          %add3A_166 = arith.constant 32 : i32
          %add3A_167 = arith.addi %add3A_136, %add3A_166 : i32
          %get3A_168 = arith.index_cast %add3A_167 : i32 to index
          %get3A_169 = tpu.vector_load %arg11[%get3A_168] {strides = array<i32>} : memref<4096xi32, #tpu.memory_space<vmem>>, vector<16xi32>,
          %add3A_170 = arith.constant 32 : i32
          %add3A_171 = arith.addi %add3A_136, %add3A_170 : i32
          %get3A_172 = arith.index_cast %add3A_171 : i32 to index
          %get3A_173 = tpu.vector_load %arg12[%get3A_172] {strides = array<i32>} : memref<4096xi32, #tpu.memory_space<vmem>>, vector<16xi32>,
          %mul3A_174 = arith.constant 8 : i32
          %mul3A_175 = arith.muli %scan3A_133, %mul3A_174 : i32
          %add3A_176 = arith.constant 2 : i32
          %add3A_177 = arith.addi %mul3A_175, %add3A_176 : i32
          %get3A_178 = arith.index_cast %add3A_177 : i32 to index
          %get3A_179 = arith.constant 0 : index
          %get3A_180 = tpu.vector_load %arg13[%get3A_178, %get3A_179] {strides = array<i32>} : memref<64x16xf32, #tpu.memory_space<vmem>>, vector<16xf32>,
          %add3A_181 = arith.constant 48 : i32
          %add3A_182 = arith.addi %add3A_136, %add3A_181 : i32
          %get3A_183 = arith.index_cast %add3A_182 : i32 to index
          %get3A_184 = tpu.vector_load %arg11[%get3A_183] {strides = array<i32>} : memref<4096xi32, #tpu.memory_space<vmem>>, vector<16xi32>,
          %add3A_185 = arith.constant 48 : i32
          %add3A_186 = arith.addi %add3A_136, %add3A_185 : i32
          %get3A_187 = arith.index_cast %add3A_186 : i32 to index
          %get3A_188 = tpu.vector_load %arg12[%get3A_187] {strides = array<i32>} : memref<4096xi32, #tpu.memory_space<vmem>>, vector<16xi32>,
          %mul3A_189 = arith.constant 8 : i32
          %mul3A_190 = arith.muli %scan3A_133, %mul3A_189 : i32
          %add3A_191 = arith.constant 3 : i32
          %add3A_192 = arith.addi %mul3A_190, %add3A_191 : i32
          %get3A_193 = arith.index_cast %add3A_192 : i32 to index
          %get3A_194 = arith.constant 0 : index
          %get3A_195 = tpu.vector_load %arg13[%get3A_193, %get3A_194] {strides = array<i32>} : memref<64x16xf32, #tpu.memory_space<vmem>>, vector<16xf32>,
          %add3A_196 = arith.constant 64 : i32
          %add3A_197 = arith.addi %add3A_136, %add3A_196 : i32
          %get3A_198 = arith.index_cast %add3A_197 : i32 to index
          %get3A_199 = tpu.vector_load %arg11[%get3A_198] {strides = array<i32>} : memref<4096xi32, #tpu.memory_space<vmem>>, vector<16xi32>,
          %add3A_200 = arith.constant 64 : i32
          %add3A_201 = arith.addi %add3A_136, %add3A_200 : i32
          %get3A_202 = arith.index_cast %add3A_201 : i32 to index
          %get3A_203 = tpu.vector_load %arg12[%get3A_202] {strides = array<i32>} : memref<4096xi32, #tpu.memory_space<vmem>>, vector<16xi32>,
          %mul3A_204 = arith.constant 8 : i32
          %mul3A_205 = arith.muli %scan3A_133, %mul3A_204 : i32
          %add3A_206 = arith.constant 4 : i32
          %add3A_207 = arith.addi %mul3A_205, %add3A_206 : i32
          %get3A_208 = arith.index_cast %add3A_207 : i32 to index
          %get3A_209 = arith.constant 0 : index
          %get3A_210 = tpu.vector_load %arg13[%get3A_208, %get3A_209] {strides = array<i32>} : memref<64x16xf32, #tpu.memory_space<vmem>>, vector<16xf32>,
          %add3A_211 = arith.constant 80 : i32
          %add3A_212 = arith.addi %add3A_136, %add3A_211 : i32
          %get3A_213 = arith.index_cast %add3A_212 : i32 to index
          %get3A_214 = tpu.vector_load %arg11[%get3A_213] {strides = array<i32>} : memref<4096xi32, #tpu.memory_space<vmem>>, vector<16xi32>,
          %add3A_215 = arith.constant 80 : i32
          %add3A_216 = arith.addi %add3A_136, %add3A_215 : i32
          %get3A_217 = arith.index_cast %add3A_216 : i32 to index
          %get3A_218 = tpu.vector_load %arg12[%get3A_217] {strides = array<i32>} : memref<4096xi32, #tpu.memory_space<vmem>>, vector<16xi32>,
          %mul3A_219 = arith.constant 8 : i32
          %mul3A_220 = arith.muli %scan3A_133, %mul3A_219 : i32
          %add3A_221 = arith.constant 5 : i32
          %add3A_222 = arith.addi %mul3A_220, %add3A_221 : i32
          %get3A_223 = arith.index_cast %add3A_222 : i32 to index
          %get3A_224 = arith.constant 0 : index
          %get3A_225 = tpu.vector_load %arg13[%get3A_223, %get3A_224] {strides = array<i32>} : memref<64x16xf32, #tpu.memory_space<vmem>>, vector<16xf32>,
          %add3A_226 = arith.constant 96 : i32
          %add3A_227 = arith.addi %add3A_136, %add3A_226 : i32
          %get3A_228 = arith.index_cast %add3A_227 : i32 to index
          %get3A_229 = tpu.vector_load %arg11[%get3A_228] {strides = array<i32>} : memref<4096xi32, #tpu.memory_space<vmem>>, vector<16xi32>,
          %add3A_230 = arith.constant 96 : i32
          %add3A_231 = arith.addi %add3A_136, %add3A_230 : i32
          %get3A_232 = arith.index_cast %add3A_231 : i32 to index
          %get3A_233 = tpu.vector_load %arg12[%get3A_232] {strides = array<i32>} : memref<4096xi32, #tpu.memory_space<vmem>>, vector<16xi32>,
          %mul3A_234 = arith.constant 8 : i32
          %mul3A_235 = arith.muli %scan3A_133, %mul3A_234 : i32
          %add3A_236 = arith.constant 6 : i32
          %add3A_237 = arith.addi %mul3A_235, %add3A_236 : i32
          %get3A_238 = arith.index_cast %add3A_237 : i32 to index
          %get3A_239 = arith.constant 0 : index
          %get3A_240 = tpu.vector_load %arg13[%get3A_238, %get3A_239] {strides = array<i32>} : memref<64x16xf32, #tpu.memory_space<vmem>>, vector<16xf32>,
          %add3A_241 = arith.constant 112 : i32
          %add3A_242 = arith.addi %add3A_136, %add3A_241 : i32
          %get3A_243 = arith.index_cast %add3A_242 : i32 to index
          %get3A_244 = tpu.vector_load %arg11[%get3A_243] {strides = array<i32>} : memref<4096xi32, #tpu.memory_space<vmem>>, vector<16xi32>,
          %add3A_245 = arith.constant 112 : i32
          %add3A_246 = arith.addi %add3A_136, %add3A_245 : i32
          %get3A_247 = arith.index_cast %add3A_246 : i32 to index
          %get3A_248 = tpu.vector_load %arg12[%get3A_247] {strides = array<i32>} : memref<4096xi32, #tpu.memory_space<vmem>>, vector<16xi32>,
          %mul3A_249 = arith.constant 8 : i32
          %mul3A_250 = arith.muli %scan3A_133, %mul3A_249 : i32
          %add3A_251 = arith.constant 7 : i32
          %add3A_252 = arith.addi %mul3A_250, %add3A_251 : i32
          %get3A_253 = arith.index_cast %add3A_252 : i32 to index
          %get3A_254 = arith.constant 0 : index
          %get3A_255 = tpu.vector_load %arg13[%get3A_253, %get3A_254] {strides = array<i32>} : memref<64x16xf32, #tpu.memory_space<vmem>>, vector<16xf32>,
          %parallel_loop3A = arith.constant 0 : i32
          %parallel_loop3A_256 = arith.constant 15 : i32
          %parallel_loop3A_257 = arith.constant 1 : i32
          scf.for %parallel_loop3A_258 = %parallel_loop3A to %parallel_loop3A_256 step %parallel_loop3A_257  : i32 {
            %parallel_loop3A_259 = arith.addi %mul3A_107, %parallel_loop3A_258 : i32
            %parallel_loop3A_260 = arith.constant 161 : i32
            %parallel_loop3A_261 = arith.muli %parallel_loop3A_259, %parallel_loop3A_260 : i32
            %parallel_loop3A_262 = vector.broadcast %parallel_loop3A_261 : i32 to vector<16xi32>
            %parallel_loop3A_263 = arith.addi %get3A_139, %parallel_loop3A_262 : vector<16xi32>
            %parallel_loop3A_264 = tpu.vector_load_idx %arg8[%parallel_loop3A_263] : memref<24160xf32, #tpu.memory_space<vmem>>[vector<16xi32>], vector<16xf32>,
            %parallel_loop3A_265 = vector.broadcast %parallel_loop3A_261 : i32 to vector<16xi32>
            %parallel_loop3A_266 = arith.addi %get3A_143, %parallel_loop3A_265 : vector<16xi32>
            %parallel_loop3A_267 = tpu.vector_load_idx %arg9[%parallel_loop3A_266] : memref<24160xf32, #tpu.memory_space<vmem>>[vector<16xi32>], vector<16xf32>,
            %parallel_loop3A_268 = arith.mulf %parallel_loop3A_264, %parallel_loop3A_267 : vector<16xf32>
            %parallel_loop3A_269 = arith.mulf %parallel_loop3A_268, %get3A_150 : vector<16xf32>
            %parallel_loop3A_270 = arith.index_cast %parallel_loop3A_258 : i32 to index
            %parallel_loop3A_271 = arith.index_cast %scan3A_133 : i32 to index
            %parallel_loop3A_272 = arith.constant 0 : index
            %parallel_loop3A_273 = tpu.vector_load %arg15[%parallel_loop3A_270, %parallel_loop3A_271, %parallel_loop3A_272] {strides = array<i32>} : memref<15x8x128xf32, #tpu.memory_space<vmem>>, vector<16xf32>,
            tpu.vector_store %arg15[%parallel_loop3A_270, %parallel_loop3A_271, %parallel_loop3A_272], %parallel_loop3A_269 {strides = array<i32>} : memref<15x8x128xf32, #tpu.memory_space<vmem>>, vector<16xf32>,
            %parallel_loop3A_274 = vector.broadcast %parallel_loop3A_261 : i32 to vector<16xi32>
            %parallel_loop3A_275 = arith.addi %get3A_154, %parallel_loop3A_274 : vector<16xi32>
            %parallel_loop3A_276 = tpu.vector_load_idx %arg8[%parallel_loop3A_275] : memref<24160xf32, #tpu.memory_space<vmem>>[vector<16xi32>], vector<16xf32>,
            %parallel_loop3A_277 = vector.broadcast %parallel_loop3A_261 : i32 to vector<16xi32>
            %parallel_loop3A_278 = arith.addi %get3A_158, %parallel_loop3A_277 : vector<16xi32>
            %parallel_loop3A_279 = tpu.vector_load_idx %arg9[%parallel_loop3A_278] : memref<24160xf32, #tpu.memory_space<vmem>>[vector<16xi32>], vector<16xf32>,
            %parallel_loop3A_280 = arith.mulf %parallel_loop3A_276, %parallel_loop3A_279 : vector<16xf32>
            %parallel_loop3A_281 = arith.mulf %parallel_loop3A_280, %get3A_165 : vector<16xf32>
            %parallel_loop3A_282 = arith.index_cast %parallel_loop3A_258 : i32 to index
            %parallel_loop3A_283 = arith.index_cast %scan3A_133 : i32 to index
            %parallel_loop3A_284 = arith.constant 16 : index
            %parallel_loop3A_285 = tpu.vector_load %arg15[%parallel_loop3A_282, %parallel_loop3A_283, %parallel_loop3A_284] {strides = array<i32>} : memref<15x8x128xf32, #tpu.memory_space<vmem>>, vector<16xf32>,
            tpu.vector_store %arg15[%parallel_loop3A_282, %parallel_loop3A_283, %parallel_loop3A_284], %parallel_loop3A_281 {strides = array<i32>} : memref<15x8x128xf32, #tpu.memory_space<vmem>>, vector<16xf32>,
            %parallel_loop3A_286 = vector.broadcast %parallel_loop3A_261 : i32 to vector<16xi32>
            %parallel_loop3A_287 = arith.addi %get3A_169, %parallel_loop3A_286 : vector<16xi32>
            %parallel_loop3A_288 = tpu.vector_load_idx %arg8[%parallel_loop3A_287] : memref<24160xf32, #tpu.memory_space<vmem>>[vector<16xi32>], vector<16xf32>,
            %parallel_loop3A_289 = vector.broadcast %parallel_loop3A_261 : i32 to vector<16xi32>
            %parallel_loop3A_290 = arith.addi %get3A_173, %parallel_loop3A_289 : vector<16xi32>
            %parallel_loop3A_291 = tpu.vector_load_idx %arg9[%parallel_loop3A_290] : memref<24160xf32, #tpu.memory_space<vmem>>[vector<16xi32>], vector<16xf32>,
            %parallel_loop3A_292 = arith.mulf %parallel_loop3A_288, %parallel_loop3A_291 : vector<16xf32>
            %parallel_loop3A_293 = arith.mulf %parallel_loop3A_292, %get3A_180 : vector<16xf32>
            %parallel_loop3A_294 = arith.index_cast %parallel_loop3A_258 : i32 to index
            %parallel_loop3A_295 = arith.index_cast %scan3A_133 : i32 to index
            %parallel_loop3A_296 = arith.constant 32 : index
            %parallel_loop3A_297 = tpu.vector_load %arg15[%parallel_loop3A_294, %parallel_loop3A_295, %parallel_loop3A_296] {strides = array<i32>} : memref<15x8x128xf32, #tpu.memory_space<vmem>>, vector<16xf32>,
            tpu.vector_store %arg15[%parallel_loop3A_294, %parallel_loop3A_295, %parallel_loop3A_296], %parallel_loop3A_293 {strides = array<i32>} : memref<15x8x128xf32, #tpu.memory_space<vmem>>, vector<16xf32>,
            %parallel_loop3A_298 = vector.broadcast %parallel_loop3A_261 : i32 to vector<16xi32>
            %parallel_loop3A_299 = arith.addi %get3A_184, %parallel_loop3A_298 : vector<16xi32>
            %parallel_loop3A_300 = tpu.vector_load_idx %arg8[%parallel_loop3A_299] : memref<24160xf32, #tpu.memory_space<vmem>>[vector<16xi32>], vector<16xf32>,
            %parallel_loop3A_301 = vector.broadcast %parallel_loop3A_261 : i32 to vector<16xi32>
            %parallel_loop3A_302 = arith.addi %get3A_188, %parallel_loop3A_301 : vector<16xi32>
            %parallel_loop3A_303 = tpu.vector_load_idx %arg9[%parallel_loop3A_302] : memref<24160xf32, #tpu.memory_space<vmem>>[vector<16xi32>], vector<16xf32>,
            %parallel_loop3A_304 = arith.mulf %parallel_loop3A_300, %parallel_loop3A_303 : vector<16xf32>
            %parallel_loop3A_305 = arith.mulf %parallel_loop3A_304, %get3A_195 : vector<16xf32>
            %parallel_loop3A_306 = arith.index_cast %parallel_loop3A_258 : i32 to index
            %parallel_loop3A_307 = arith.index_cast %scan3A_133 : i32 to index
            %parallel_loop3A_308 = arith.constant 48 : index
            %parallel_loop3A_309 = tpu.vector_load %arg15[%parallel_loop3A_306, %parallel_loop3A_307, %parallel_loop3A_308] {strides = array<i32>} : memref<15x8x128xf32, #tpu.memory_space<vmem>>, vector<16xf32>,
            tpu.vector_store %arg15[%parallel_loop3A_306, %parallel_loop3A_307, %parallel_loop3A_308], %parallel_loop3A_305 {strides = array<i32>} : memref<15x8x128xf32, #tpu.memory_space<vmem>>, vector<16xf32>,
            %parallel_loop3A_310 = vector.broadcast %parallel_loop3A_261 : i32 to vector<16xi32>
            %parallel_loop3A_311 = arith.addi %get3A_199, %parallel_loop3A_310 : vector<16xi32>
            %parallel_loop3A_312 = tpu.vector_load_idx %arg8[%parallel_loop3A_311] : memref<24160xf32, #tpu.memory_space<vmem>>[vector<16xi32>], vector<16xf32>,
            %parallel_loop3A_313 = vector.broadcast %parallel_loop3A_261 : i32 to vector<16xi32>
            %parallel_loop3A_314 = arith.addi %get3A_203, %parallel_loop3A_313 : vector<16xi32>
            %parallel_loop3A_315 = tpu.vector_load_idx %arg9[%parallel_loop3A_314] : memref<24160xf32, #tpu.memory_space<vmem>>[vector<16xi32>], vector<16xf32>,
            %parallel_loop3A_316 = arith.mulf %parallel_loop3A_312, %parallel_loop3A_315 : vector<16xf32>
            %parallel_loop3A_317 = arith.mulf %parallel_loop3A_316, %get3A_210 : vector<16xf32>
            %parallel_loop3A_318 = arith.index_cast %parallel_loop3A_258 : i32 to index
            %parallel_loop3A_319 = arith.index_cast %scan3A_133 : i32 to index
            %parallel_loop3A_320 = arith.constant 64 : index
            %parallel_loop3A_321 = tpu.vector_load %arg15[%parallel_loop3A_318, %parallel_loop3A_319, %parallel_loop3A_320] {strides = array<i32>} : memref<15x8x128xf32, #tpu.memory_space<vmem>>, vector<16xf32>,
            tpu.vector_store %arg15[%parallel_loop3A_318, %parallel_loop3A_319, %parallel_loop3A_320], %parallel_loop3A_317 {strides = array<i32>} : memref<15x8x128xf32, #tpu.memory_space<vmem>>, vector<16xf32>,
            %parallel_loop3A_322 = vector.broadcast %parallel_loop3A_261 : i32 to vector<16xi32>
            %parallel_loop3A_323 = arith.addi %get3A_214, %parallel_loop3A_322 : vector<16xi32>
            %parallel_loop3A_324 = tpu.vector_load_idx %arg8[%parallel_loop3A_323] : memref<24160xf32, #tpu.memory_space<vmem>>[vector<16xi32>], vector<16xf32>,
            %parallel_loop3A_325 = vector.broadcast %parallel_loop3A_261 : i32 to vector<16xi32>
            %parallel_loop3A_326 = arith.addi %get3A_218, %parallel_loop3A_325 : vector<16xi32>
            %parallel_loop3A_327 = tpu.vector_load_idx %arg9[%parallel_loop3A_326] : memref<24160xf32, #tpu.memory_space<vmem>>[vector<16xi32>], vector<16xf32>,
            %parallel_loop3A_328 = arith.mulf %parallel_loop3A_324, %parallel_loop3A_327 : vector<16xf32>
            %parallel_loop3A_329 = arith.mulf %parallel_loop3A_328, %get3A_225 : vector<16xf32>
            %parallel_loop3A_330 = arith.index_cast %parallel_loop3A_258 : i32 to index
            %parallel_loop3A_331 = arith.index_cast %scan3A_133 : i32 to index
            %parallel_loop3A_332 = arith.constant 80 : index
            %parallel_loop3A_333 = tpu.vector_load %arg15[%parallel_loop3A_330, %parallel_loop3A_331, %parallel_loop3A_332] {strides = array<i32>} : memref<15x8x128xf32, #tpu.memory_space<vmem>>, vector<16xf32>,
            tpu.vector_store %arg15[%parallel_loop3A_330, %parallel_loop3A_331, %parallel_loop3A_332], %parallel_loop3A_329 {strides = array<i32>} : memref<15x8x128xf32, #tpu.memory_space<vmem>>, vector<16xf32>,
            %parallel_loop3A_334 = vector.broadcast %parallel_loop3A_261 : i32 to vector<16xi32>
            %parallel_loop3A_335 = arith.addi %get3A_229, %parallel_loop3A_334 : vector<16xi32>
            %parallel_loop3A_336 = tpu.vector_load_idx %arg8[%parallel_loop3A_335] : memref<24160xf32, #tpu.memory_space<vmem>>[vector<16xi32>], vector<16xf32>,
            %parallel_loop3A_337 = vector.broadcast %parallel_loop3A_261 : i32 to vector<16xi32>
            %parallel_loop3A_338 = arith.addi %get3A_233, %parallel_loop3A_337 : vector<16xi32>
            %parallel_loop3A_339 = tpu.vector_load_idx %arg9[%parallel_loop3A_338] : memref<24160xf32, #tpu.memory_space<vmem>>[vector<16xi32>], vector<16xf32>,
            %parallel_loop3A_340 = arith.mulf %parallel_loop3A_336, %parallel_loop3A_339 : vector<16xf32>
            %parallel_loop3A_341 = arith.mulf %parallel_loop3A_340, %get3A_240 : vector<16xf32>
            %parallel_loop3A_342 = arith.index_cast %parallel_loop3A_258 : i32 to index
            %parallel_loop3A_343 = arith.index_cast %scan3A_133 : i32 to index
            %parallel_loop3A_344 = arith.constant 96 : index
            %parallel_loop3A_345 = tpu.vector_load %arg15[%parallel_loop3A_342, %parallel_loop3A_343, %parallel_loop3A_344] {strides = array<i32>} : memref<15x8x128xf32, #tpu.memory_space<vmem>>, vector<16xf32>,
            tpu.vector_store %arg15[%parallel_loop3A_342, %parallel_loop3A_343, %parallel_loop3A_344], %parallel_loop3A_341 {strides = array<i32>} : memref<15x8x128xf32, #tpu.memory_space<vmem>>, vector<16xf32>,
            %parallel_loop3A_346 = vector.broadcast %parallel_loop3A_261 : i32 to vector<16xi32>
            %parallel_loop3A_347 = arith.addi %get3A_244, %parallel_loop3A_346 : vector<16xi32>
            %parallel_loop3A_348 = tpu.vector_load_idx %arg8[%parallel_loop3A_347] : memref<24160xf32, #tpu.memory_space<vmem>>[vector<16xi32>], vector<16xf32>,
            %parallel_loop3A_349 = vector.broadcast %parallel_loop3A_261 : i32 to vector<16xi32>
            %parallel_loop3A_350 = arith.addi %get3A_248, %parallel_loop3A_349 : vector<16xi32>
            %parallel_loop3A_351 = tpu.vector_load_idx %arg9[%parallel_loop3A_350] : memref<24160xf32, #tpu.memory_space<vmem>>[vector<16xi32>], vector<16xf32>,
            %parallel_loop3A_352 = arith.mulf %parallel_loop3A_348, %parallel_loop3A_351 : vector<16xf32>
            %parallel_loop3A_353 = arith.mulf %parallel_loop3A_352, %get3A_255 : vector<16xf32>
            %parallel_loop3A_354 = arith.index_cast %parallel_loop3A_258 : i32 to index
            %parallel_loop3A_355 = arith.index_cast %scan3A_133 : i32 to index
            %parallel_loop3A_356 = arith.constant 112 : index
            %parallel_loop3A_357 = tpu.vector_load %arg15[%parallel_loop3A_354, %parallel_loop3A_355, %parallel_loop3A_356] {strides = array<i32>} : memref<15x8x128xf32, #tpu.memory_space<vmem>>, vector<16xf32>,
            tpu.vector_store %arg15[%parallel_loop3A_354, %parallel_loop3A_355, %parallel_loop3A_356], %parallel_loop3A_353 {strides = array<i32>} : memref<15x8x128xf32, #tpu.memory_space<vmem>>, vector<16xf32>,
          } {sc.loop_unroll_factor = 1 : i64, sc.parallel_access}
        }
        %scan3A_126 = arith.constant 8 : i32
        %dma_start3A_127 = arith.constant 0 : i32
        %dma_start3A_128 = tpu.memref_slice %arg7[%select_n3A, %mul3A_107, %add3A_112, %dma_start3A_127] : memref<8x150x128x128xf32, #tpu.memory_space<hbm>> -> memref<1x15x8x128xf32, #tpu.memory_space<hbm>>
        %dma_start3A_129 = tpu.memref_squeeze %dma_start3A_128 : memref<1x15x8x128xf32, #tpu.memory_space<hbm>> -> memref<15x8x128xf32, #tpu.memory_space<hbm>>
        %dma_start3A_130 = arith.constant 0 : i32
        %dma_start3A_131 = tpu.memref_slice %arg7[%select_n3A, %mul3A_107, %add3A_112, %dma_start3A_130] : memref<8x150x128x128xf32, #tpu.memory_space<hbm>> -> memref<1x15x8x128xf32, #tpu.memory_space<hbm>>
        %dma_start3A_132 = tpu.memref_squeeze %dma_start3A_131 : memref<1x15x8x128xf32, #tpu.memory_space<hbm>> -> memref<15x8x128xf32, #tpu.memory_space<hbm>>
        tpu.enqueue_dma source(%arg15 : memref<15x8x128xf32, #tpu.memory_space<vmem>>) target(%dma_start3A_132 : memref<15x8x128xf32, #tpu.memory_space<hbm>>) target_semaphore(%arg17 : memref<!tpu.dma_semaphore, #tpu.memory_space<semaphore_mem>>)
      }
      %scan3A_75 = arith.constant 5 : i32
    }
    %scan3A_45 = arith.constant 4 : i32
    %dma_wait3A = arith.constant 0 : i32
    %dma_wait3A_46 = arith.constant 0 : i32
    %dma_wait3A_47 = tpu.memref_slice %arg7[%select_n3A, %dma_wait3A, %mul3A_32, %dma_wait3A_46] : memref<8x150x128x128xf32, #tpu.memory_space<hbm>> -> memref<1x15x8x128xf32, #tpu.memory_space<hbm>>
    %dma_wait3A_48 = tpu.memref_squeeze %dma_wait3A_47 : memref<1x15x8x128xf32, #tpu.memory_space<hbm>> -> memref<15x8x128xf32, #tpu.memory_space<hbm>>
    %dma_wait3A_49 = arith.constant 0 : i32
    %dma_wait3A_50 = arith.constant 0 : i32
    %dma_wait3A_51 = tpu.memref_slice %arg7[%select_n3A, %dma_wait3A_49, %mul3A_32, %dma_wait3A_50] : memref<8x150x128x128xf32, #tpu.memory_space<hbm>> -> memref<1x15x8x128xf32, #tpu.memory_space<hbm>>
    %dma_wait3A_52 = tpu.memref_squeeze %dma_wait3A_51 : memref<1x15x8x128xf32, #tpu.memory_space<hbm>> -> memref<15x8x128xf32, #tpu.memory_space<hbm>>
    tpu.wait_dma2 semaphore(%arg16 : memref<!tpu.dma_semaphore, #tpu.memory_space<semaphore_mem>>) src(%arg14 : memref<15x8x128xf32, #tpu.memory_space<vmem>>) dst(%dma_wait3A_52 : memref<15x8x128xf32, #tpu.memory_space<hbm>>)
    %dma_wait3A_53 = arith.constant 0 : i32
    %dma_wait3A_54 = arith.constant 0 : i32
    %dma_wait3A_55 = tpu.memref_slice %arg7[%select_n3A, %dma_wait3A_53, %mul3A_32, %dma_wait3A_54] : memref<8x150x128x128xf32, #tpu.memory_space<hbm>> -> memref<1x15x8x128xf32, #tpu.memory_space<hbm>>
    %dma_wait3A_56 = tpu.memref_squeeze %dma_wait3A_55 : memref<1x15x8x128xf32, #tpu.memory_space<hbm>> -> memref<15x8x128xf32, #tpu.memory_space<hbm>>
    %dma_wait3A_57 = arith.constant 0 : i32
    %dma_wait3A_58 = arith.constant 0 : i32
    %dma_wait3A_59 = tpu.memref_slice %arg7[%select_n3A, %dma_wait3A_57, %mul3A_32, %dma_wait3A_58] : memref<8x150x128x128xf32, #tpu.memory_space<hbm>> -> memref<1x15x8x128xf32, #tpu.memory_space<hbm>>
    %dma_wait3A_60 = tpu.memref_squeeze %dma_wait3A_59 : memref<1x15x8x128xf32, #tpu.memory_space<hbm>> -> memref<15x8x128xf32, #tpu.memory_space<hbm>>
    tpu.wait_dma2 semaphore(%arg17 : memref<!tpu.dma_semaphore, #tpu.memory_space<semaphore_mem>>) src(%arg15 : memref<15x8x128xf32, #tpu.memory_space<vmem>>) dst(%dma_wait3A_60 : memref<15x8x128xf32, #tpu.memory_space<hbm>>)
    return
  }
}

</mosaic_0001>

<sc_bundles>
// kernel: kernel.3.cloned.1.call-start
scs
__scs_entry_jumppad:
0x0: {  	(pc) =	sbr.rel $0x88, $3  }
0x1: {  	(tag) =	ssettag $0x0;
	lr =	simm.s32 $0x1  }
0x2: {  	[smem:$0x3F9C] =	sst lr;
	_ =	strace $0xD0000000  }
0x3: {  	_ = 	snop  }
0x4: {  	_ = 	snop  }
0x5: {  	_ = 	snop  }
0x6: {  	_ = 	snop  }
0x7: {  	_ = 	snop  }
__scs_overlays_trampoline_lowered:
0x8: {  	[smem:$0x3FAB] =	sst s0  }
0x9: {  	[smem:$0x3FAC] =	sst s1  }
0xa: {  	[smem:$0x3FAD] =	sst s2  }
0xb: {  	[smem:$0x3FAE] =	sst s3  }
0xc: {  	[smem:$0x3FAF] =	sst s4  }
0xd: {  	[smem:$0x3FB0] =	sst s5  }
0xe: {  	[smem:$0x3FB1] =	sst s6  }
0xf: {  	[smem:$0x3FB2] =	sst s7  }
0x10: {  	[smem:$0x3FB3] =	sst s8  }
0x11: {  	[smem:$0x3FB4] =	sst s9;
	s0 =	simm.s32 @!p0 $0x0  }
0x12: {  	s1 =	sld [smem:$0x3F9A];
	s0 =	simm.s32 @p0 $0x1  }
0x13: {  	[smem:$0x3FB5] =	sst s0;
	s0 =	simm.s32 @!p1 $0x0  }
0x14: {  	s2 =	sld [smem:$0x3F99];
	s0 =	simm.s32 @p1 $0x1  }
0x15: {  	[smem:$0x3FB6] =	sst s0;
	s0 =	simm.s32 @!p2 $0x0  }
0x16: {  	s3 =	sld [smem:$0x3FDB];
	s0 =	simm.s32 @p2 $0x1  }
0x17: {  	s4 =	simm.s32 $0x1BF5;
	[smem:$0x3FB8] =	sst s0  }
0x18: {  	s0 =	sld [smem:$0x3F9B];
	_ =	swait.ge [sflag:s4], $0x0  }
0x19: {  	s7 =	sld [smem:$0x3F9C]  }
0x1a: {  	s8 =	sadd.s32 $0xFFFFE003, lr  }
0x1b: {  	s9 =	sadd.s32 $0xFFFFFEF7, lr;
	s5 =	simm.s32 $0xFFFFFFFF;
	p2 =	slt.u32 s8, $0xFFFFF086  }
0x1c: {  	p1 =	slt.u32 s9, $0xF7A;
	s5 =	simm.s32 @!p2 $0x0  }
0x1d: {  	s5 =	simm.s32 @p1 $0x1;
	p0 =	seq.s32 s7, s2  }
0x1e: {  	s7 =	smul.u32 @!p0 $0xF7A, s2;
	p2 =	seq.s32 @!p0 s5, $0x0  }
0x1f: {  	s9 =	smul.u32 $0xF7A, s1;
	s8 =	simm.s32 @!p0 $0x1BF5;
	p2 =	por !p2, p0  }
0x20: {  	[sflag:s8] =	ssyncset.s32 @!p0 $0xFFFFF086;
	s6 =	sadd.s32 @!p0 s3, s7;
	s7 =	simm.s32 @!p0 $0x108  }
0x21: {  	s3 =	sadd.s32 s3, s9;
	s6 =	sadd.s32 @!p0 $0x88, s6;
	s7 =	simm.s32 @p2 $0x1082  }
0x22: {  	[simem:s7], [sflag:s8] =	dma.local @!p0 [hbm:s6], $0xF7A  }
0x23: {  	s9 =	sor.u32 $0xD0000000, s2;
	s6 =	simm.s32 $0x108;
	_ =	swait.ge @!p0 [sflag:s8], $0x0  }
0x24: {  	s3 =	sadd.s32 $0x88, s3;
	s6 =	simm.s32 @!p1 $0x1082;
	[sflag:s4] =	ssyncset.s32 $0xFFFFF086  }
0x25: {  	[simem:s6], [sflag:s4] =	dma.local [hbm:s3], $0xF7A  }
0x26: {  	[smem:$0x3F9C] =	sst s1;
	(tag) =	ssettag s2;
	_ =	strace s9  }
0x27: {  	s1 =	sld [smem:$0x3FAC]  }
0x28: {  	s2 =	sld [smem:$0x3FAD]  }
0x29: {  	s4 =	sld [smem:$0x3FAF]  }
0x2a: {  	p0 =	seq.s32 s5, $0x0;
	s5 =	sld [smem:$0x3FB0]  }
0x2b: {  	s6 =	sld [smem:$0x3FB1]  }
0x2c: {  	s7 =	sld [smem:$0x3FB2]  }
0x2d: {  	s3 =	simm.s32 $0x108;
	s8 =	sld [smem:$0x3FB3]  }
0x2e: {  	s3 =	simm.s32 @!p0 $0x1082;
	s9 =	sld [smem:$0x3FB4]  }
0x2f: {  	lr =	sadd.s32 s0, s3;
	s0 =	sld [smem:$0x3FAB]  }
0x30: {  	s3 =	sld [smem:$0x3FAE]  }
0x31: {  	[smem:$0x3FB7] =	sst s10  }
0x32: {  	s10 =	sld [smem:$0x3FB5];
	_ =	sdelay $0x3  }
0x33: {  	p0 =	seq.s32 s10, $0x1;
	s10 =	sld [smem:$0x3FB7];
	_ =	sdelay $0x3  }
0x34: {  	[smem:$0x3FB7] =	sst s10  }
0x35: {  	s10 =	sld [smem:$0x3FB6];
	_ =	sdelay $0x3  }
0x36: {  	p1 =	seq.s32 s10, $0x1;
	s10 =	sld [smem:$0x3FB7];
	_ =	sdelay $0x3  }
0x37: {  	[smem:$0x3FB7] =	sst s10  }
0x38: {  	s10 =	sld [smem:$0x3FB8]  }
0x39: {  	_ = 	snop;
	(pc) =	sbr.ind lr, $3  }
0x3a: {  	_ = 	snop  }
0x3b: {  	_ = 	snop  }
0x3c: {  	p2 =	seq.s32 s10, $0x1;
	s10 =	sld [smem:$0x3FB7]  }
0x3d: {  	_ =	shalt  }
0x3e: {  	_ =	shalt  }
0x3f: {  	_ =	shalt  }
0x40: {  	_ =	shalt  }
0x41: {  	_ =	shalt  }
0x42: {  	_ =	shalt  }
0x43: {  	_ =	shalt  }
0x44: {  	_ =	shalt  }
0x45: {  	_ =	shalt  }
0x46: {  	_ =	shalt  }
0x47: {  	_ =	shalt  }
0x48: {  	_ =	shalt  }
0x49: {  	_ =	shalt  }
0x4a: {  	_ =	shalt  }
0x4b: {  	_ =	shalt  }
0x4c: {  	_ =	shalt  }
0x4d: {  	_ =	shalt  }
0x4e: {  	_ =	shalt  }
0x4f: {  	_ =	shalt  }
0x50: {  	_ =	shalt  }
0x51: {  	_ =	shalt  }
0x52: {  	_ =	shalt  }
0x53: {  	_ =	shalt  }
0x54: {  	_ =	shalt  }
0x55: {  	_ =	shalt  }
0x56: {  	_ =	shalt  }
0x57: {  	_ =	shalt  }
0x58: {  	_ =	shalt  }
0x59: {  	_ =	shalt  }
0x5a: {  	_ =	shalt  }
0x5b: {  	_ =	shalt  }
0x5c: {  	_ =	shalt  }
0x5d: {  	_ =	shalt  }
0x5e: {  	_ =	shalt  }
0x5f: {  	_ =	shalt  }
0x60: {  	_ =	shalt  }
0x61: {  	_ =	shalt  }
0x62: {  	_ =	shalt  }
0x63: {  	_ =	shalt  }
0x64: {  	_ =	shalt  }
0x65: {  	_ =	shalt  }
0x66: {  	_ =	shalt  }
0x67: {  	_ =	shalt  }
0x68: {  	_ =	shalt  }
0x69: {  	_ =	shalt  }
0x6a: {  	_ =	shalt  }
0x6b: {  	_ =	shalt  }
0x6c: {  	_ =	shalt  }
0x6d: {  	_ =	shalt  }
0x6e: {  	_ =	shalt  }
0x6f: {  	_ =	shalt  }
0x70: {  	_ =	shalt  }
0x71: {  	_ =	shalt  }
0x72: {  	_ =	shalt  }
0x73: {  	_ =	shalt  }
0x74: {  	_ =	shalt  }
0x75: {  	_ =	shalt  }
0x76: {  	_ =	shalt  }
0x77: {  	_ =	shalt  }
0x78: {  	_ =	shalt  }
0x79: {  	_ =	shalt  }
0x7a: {  	_ =	shalt  }
0x7b: {  	_ =	shalt  }
0x7c: {  	_ =	shalt  }
0x7d: {  	_ =	shalt  }
0x7e: {  	_ =	shalt  }
0x7f: {  	_ =	shalt  }
0x80: {  	_ =	shalt  }
0x81: {  	_ =	shalt  }
0x82: {  	_ =	shalt  }
0x83: {  	_ =	shalt  }
0x84: {  	_ =	shalt  }
0x85: {  	_ =	shalt  }
0x86: {  	_ =	shalt  }
0x87: {  	_ =	shalt  }
.Lfunc_end0:
.L_simem_size_0:
called_computation_lowered:
.L_overlay_start_0:
0x88: {  	s2 =	sld [smem:$0x3FD9]  }
0x89: {  	s3 =	sld [smem:$0x3FFE];
	_ =	sdelay $0x1  }
0x8a: {  	s1 =	srdreg.scid  }
0x8b: {  	s0 =	sand.u32 $0x1, s1  }
0x8c: {  	s17 =	sshll.u32 s0, $0xA;
	s2 =	sadd.s32 s3, s2  }
0x8d: {  	s2 =	sadd.s32 s2, s17  }
0x8e: {  	[smem:$0x3FC3] =	sst s2  }
0x8f: {  	_ = 	snop  }
0x90: {  	s2 =	sld [smem:$0x3FC9]  }
0x91: {  	s18 =	sld [smem:$0x3FC8]  }
0x92: {  	s4 =	sld [smem:$0x3FD0];
	(tm) =	ssettm $0x1  }
0x93: {  	s5 =	sld [smem:$0x3FFB];
	_ =	sdelay $0x3  }
0x94: {  	_ =	strace s5  }
0x95: {  	s5 =	sld [smem:$0x3FFC];
	_ =	sdelay $0x3  }
0x96: {  	_ =	strace s5  }
0x97: {  	s5 =	sld [smem:$0x3FFD];
	_ =	sdelay $0x3  }
0x98: {  	_ =	strace s5  }
0x99: {  	_ =	strace $0x8FFFFFFF  }
0x9a: {  	s19 =	sld [smem:$0x3FDB];
	_ =	sdelay $0x1  }
0x9b: {  	s6 =	simm.s32 $_scs_section_size  }
0x9c: {  	s7 =	simm.s32 $_size__tile_overlayer_lowered;
	s8 =	simm.s32 $_tile_overlayer_lowered  }
0x9d: {  	s22 =	simm.s32 $0x1BFF;
	s21 =	sshll.u32 s8, $0x1;
	s5 =	sadd.s32 s6, s19  }
0x9e: {  	s9 =	simm.s32 $0x0;
	s20 =	sshll.u32 s7, $0x1;
	s7 =	sadd.s32 s21, s5  }
0x9f: {  	[timem:s9], [sflag:s22] =	dma.local [hbm:s7], s20  }
0xa0: {  	_ =	swait.ge [sflag:s22], s20  }
0xa1: {  	s6 =	ssub.s32 $0x0, s20;
	[sflag:s22] =	ssyncset.done $0x0  }
0xa2: {  	[sflag:s22] =	ssyncadd.s32 s6;
	_ =	sdelay $0x1  }
0xa3: {  	s23 =	simm.s32 $0x1B8B  }
0xa4: {  	_ =	swait.ge [sflag:s23], $0x1  }
0xa5: {  	[sflag:s23] =	ssyncset.done $0x0  }
0xa6: {  	s25 =	simm.s32 $0x1B8E;
	s24 =	sld [smem:$0x3FFE];
	[sflag:s23] =	ssyncadd.s32 $0xFFFFFFFF  }
0xa7: {  	s26 =	simm.s32 $execute0_lowered;
	[smem:$0x3FD2] =	sst s25  }
0xa8: {  	s7 =	sshll.u32 s26, $0x1;
	_ =	strace $0x80000046;
	[dreg:$0x1] =	wrdreg $0xFFFFFFFF  }
0xa9: {  	s28 =	simm.s32 $_size_execute0_lowered;
	s5 =	sadd.s32 s5, s7;
	[dreg:$0x0] =	wrdreg $0x0  }
0xaa: {  	s7 =	sshll.u32 s28, $0x1;
	[dreg:$0x2] =	wrdreg s5  }
0xab: {  	[dreg:$0x3] =	wrdreg s7  }
0xac: {  	[dreg:$0x4] =	wrdreg $0xC0  }
0xad: {  	_ =	task [dreg:s9], $0x5FFFF  }
0xae: {  	[dreg:$0x1] =	wrdreg $0xFFFFFFFF  }
0xaf: {  	[dreg:$0x0] =	wrdreg $0x60  }
0xb0: {  	[dreg:$0x2] =	wrdreg s24  }
0xb1: {  	[dreg:$0x3] =	wrdreg s18  }
0xb2: {  	[dreg:$0x4] =	wrdreg s2  }
0xb3: {  	[dreg:$0x5] =	wrdreg s4  }
0xb4: {  	[dreg:$0x6] =	wrdreg $0x9  }
0xb5: {  	_ =	task.clear_ibuf [dreg:s9], $0x7FFFF;
	_ =	strace $0x90000046  }
0xb6: {  	s29 =	simm.s32 $0x9;
	_ =	strace $0x80000048  }
0xb7: {  	_ =	swait.ge [sflag:s29], $0x1  }
0xb8: {  	[sflag:s29] =	ssyncadd.s32 $0xFFFFFFFF  }
0xb9: {  	_ =	strace $0x90000048  }
0xba: {  	_ =	sfence  }
0xbb: {  	s30 =	sld [smem:$0x0];
	_ =	sdelay $0x2  }
0xbc: {  	s31 =	sshll.u32 s1, $0xD;
	s1 =	sshrl.u32 s1, $0x2  }
0xbd: {  	s3 =	sand.u32 $0x4000, s31;
	s1 =	sadd.s32 s1, s30  }
0xbe: {  	s0 =	sor.u32 s3, s0;
	s1 =	sshll.u32 s1, $0x11  }
0xbf: {  	s0 =	sor.u32 s1, s0  }
0xc0: {  	s0 =	sadd.s32 $0x8F2B, s0  }
0xc1: {  	[sflag:s0] =	ssyncadd.remote.s32 $0x1  }
0xc2: {  	_ =	sfence.sel $0xFFFF  }
0xc3: {  	[dreg:$0x0] =	wrdreg $0xFFFFFFFF;
	(pc) =	sbr.abs _section_cstart, $3  }
0xc4: {  	[dreg:$0x1] =	wrdreg $0xFFFFFFFF  }
0xc5: {  	_ =	task.clear_ibuf [dreg:s9], $0x2FFFF;
	_ =	strace $0x9FFFFFFF  }
0xc6: {  	(tm) =	ssettm $0x7FFFFFFF  }
0xc7: {  	_ =	shalt  }
tec
execute0_lowered:
.L_overlay_start_1:
0x0: {  	(tag) =	ssettag $0x1  }
0x1: {  	s0 =	rddreg [dreg:$0x0]  }
0x2: {  	s1 =	rddreg [dreg:$0x1]  }
0x3: {  	s4 =	rddreg [dreg:$0x2]  }
0x4: {  	s2 =	rddreg [dreg:$0x3];
	s10 =	stileid.u32;
	s3 =	simm.s32 $0x0  }
0x5: {  	s7 =	srdreg.scid;
	s13 =	simm.s32 $0x5E80;
	s14 =	simm.s32 $0xBD00  }
0x6: {  	s17 =	simm.s32 $0x400;
	s5 =	sshrl.u32 s10, $0x1;
	[smem:$0x7FF] =	sst s3  }
0x7: {  	s7 =	sand.u32 $0x1, s7;
	s10 =	sshll.u32 s10, $0x1;
	s6 =	smul.u32 $0xBCC, s5  }
0x8: {  	s9 =	ssub.s32 $0x2, s7;
	s7 =	sor.u32 s7, s10;
	s30 =	smul.u32 $0x258000, s5  }
0x9: {  	s8 =	smul.u32 $0xAFD, s5;
	_ =	strace $0x80000047;
	s28 =	sshll.u32 s7, $0x9  }
0xa: {  	s6 =	sadd.s32 s6, s0;
	s1 =	sadd.s32 s1, s28;
	[dreg:$0xb] =	wrdreg s30  }
0xb: {  	s25 =	sshrl.u32 s9, $0x1;
	s26 =	sadd.s32 $0x800, s6;
	[dreg:$0x8] =	wrdreg s1  }
0xc: {  	s0 =	sadd.s32 s8, s0;
	s6 =	sadd.s32 $0xC000, s6;
	[dreg:$0x5] =	wrdreg s26  }
0xd: {  	s8 =	ssub.s32 s9, s25;
	s0 =	sadd.s32 $0x6800, s0;
	[dreg:$0x6] =	wrdreg s6  }
0xe: {  	s18 =	simm.s32 $0x4000;
	s31 =	smax.u32 s8, $0x1;
	[dreg:$0x7] =	wrdreg s0  }
0xf: {  	s29 =	sshll.u32 s7, $0x2;
	s0 =	sadd.s32 s4, s28;
	[dreg:$0xc] =	wrdreg s31  }
0x10: {  	s19 =	simm.s32 $0x15500;
	[dreg:$0x9] =	wrdreg s0;
	s0 =	sand.u32 $0xC, s29  }
0x11: {  	s20 =	simm.s32 $0x19100;
	s4 =	simm.s32 $0x0;
	[dreg:$0xa] =	wrdreg s0  }
.LBB2_1:
0x12: {  	[dreg:$0xd] =	wrdreg s4  }
0x13: {  	s0 =	rddreg [dreg:$0x5];
	s1 =	simm.s32 $0x3  }
0x14: {  	[tilespmem:s3], [sflag:$0x3] =	stream.linear.gather [hbm4b:s0+s3], $0x5E60, $0x38;
	[tilespmem:$0x1CD00] =	vst v63  }
0x15: {  	_ =	swait.ge [sflag:s1], $0x5E60  }
0x16: {  	[sflag:s1] =	ssyncset.done $0x0  }
0x17: {  	s25 =	rddreg [dreg:$0x6];
	[sflag:s1] =	ssyncadd.s32 $0xFFFFA1A0  }
0x18: {  	[tilespmem:s13], [sflag:$0x3] =	stream.linear.gather [hbm4b:s25+s3], $0x5E60, $0x38;
	[tilespmem:$0x1CD00] =	vst v63  }
0x19: {  	_ =	swait.ge [sflag:s1], $0x5E60  }
0x1a: {  	[sflag:s1] =	ssyncset.done $0x0  }
0x1b: {  	s26 =	rddreg [dreg:$0x7];
	[sflag:s1] =	ssyncadd.s32 $0xFFFFA1A0  }
0x1c: {  	[tilespmem:s14], [sflag:$0x3] =	stream.linear.gather [hbm4b:s26+s3], $0x57E8, $0x38;
	[tilespmem:$0x1CD00] =	vst v63  }
0x1d: {  	_ =	swait.ge [sflag:s1], $0x57E8  }
0x1e: {  	[sflag:s1] =	ssyncset.done $0x0  }
0x1f: {  	s29 =	simm.s32 $0x11500;
	s28 =	rddreg [dreg:$0x8];
	[sflag:s1] =	ssyncadd.s32 $0xFFFFA818  }
0x20: {  	[tilespmem:s29], [sflag:$0x3] =	stream.linear.gather [hbm4b:s28+s3], $0x1000, $0x38;
	[tilespmem:$0x1CD00] =	vst v63  }
0x21: {  	_ =	swait.ge [sflag:s1], $0x1000  }
0x22: {  	[sflag:s1] =	ssyncset.done $0x0  }
0x23: {  	s31 =	simm.s32 $0x12500;
	s30 =	rddreg [dreg:$0x9];
	[sflag:s1] =	ssyncadd.s32 $0xFFFFF000  }
0x24: {  	[tilespmem:s31], [sflag:$0x3] =	stream.linear.gather [hbm4b:s30+s3], $0x1000, $0x38;
	[tilespmem:$0x1CD00] =	vst v63  }
0x25: {  	_ =	swait.ge [sflag:s1], $0x1000  }
0x26: {  	s5 =	simm.s32 $0x11520;
	[sflag:s1] =	ssyncset.done $0x0  }
0x27: {  	s4 =	simm.s32 $0x12520;
	s26 =	simm.s32 $0x0;
	[sflag:s1] =	ssyncadd.s32 $0xFFFFF000  }
.LBB2_2:
0x28: {  	s28 =	sshll.u32 s26, $0xA;
	[dreg:$0xf] =	wrdreg s4  }
0x29: {  	s0 =	simm.s32 $0xFFFFFFFC;
	s1 =	simm.s32 $0x13600;
	[dreg:$0xe] =	wrdreg s5  }
.LBB2_3:
0x2a: {  	v0 =	vld [tilespmem:s5+$0xFFFFFFE0];
	_ =	sdelay $0x1  }
0x2b: {  	v1 =	vld [tilespmem:s4+$0xFFFFFFE0];
	_ =	sdelay $0x2  }
0x2c: {  	v0 =	vmul.u32 $0x96, v0;
	_ =	sdelay $0x1  }
0x2d: {  	v0 =	vadd.s32 v1, v0;
	_ =	sdelay $0x4  }
0x2e: {  	v0 =	vld.idx.msk [tilespmem:v0+s14+$0x0], $0xffff;
	_ =	sdelay $0x4  }
0x2f: {  	v0 =	vadd.f32 $1.000000010e-10, v0;
	_ =	sdelay $0x1  }
0x30: {  	(erf) = vrcp.f32 v0;
	_ =	sdelay $0x8  }
0x31: {  	v0 =	vpop (erf)  }
0x32: {  	[tilespmem:s1+$0xFFFFFF00] =	vst v0  }
0x33: {  	v0 =	vld [tilespmem:s5+$0xFFFFFFF0];
	_ =	sdelay $0x1  }
0x34: {  	v61 =	vld [tilespmem:s4+$0xFFFFFFF0];
	_ =	sdelay $0x2  }
0x35: {  	v0 =	vmul.u32 $0x96, v0;
	_ =	sdelay $0x1  }
0x36: {  	v0 =	vadd.s32 v61, v0;
	_ =	sdelay $0x4  }
0x37: {  	v0 =	vld.idx.msk [tilespmem:v0+s14+$0x0], $0xffff;
	_ =	sdelay $0x4  }
0x38: {  	v0 =	vadd.f32 $1.000000010e-10, v0;
	_ =	sdelay $0x1  }
0x39: {  	(erf) = vrcp.f32 v0;
	_ =	sdelay $0x8  }
0x3a: {  	v0 =	vpop (erf)  }
0x3b: {  	[tilespmem:s1+$0xFFFFFF80] =	vst v0  }
0x3c: {  	v0 =	vld [tilespmem:s5+$0x0];
	_ =	sdelay $0x1  }
0x3d: {  	v62 =	vld [tilespmem:s4+$0x0];
	_ =	sdelay $0x2  }
0x3e: {  	v0 =	vmul.u32 $0x96, v0;
	_ =	sdelay $0x1  }
0x3f: {  	v0 =	vadd.s32 v62, v0;
	_ =	sdelay $0x4  }
0x40: {  	v0 =	vld.idx.msk [tilespmem:v0+s14+$0x0], $0xffff;
	_ =	sdelay $0x4  }
0x41: {  	v0 =	vadd.f32 $1.000000010e-10, v0;
	_ =	sdelay $0x1  }
0x42: {  	(erf) = vrcp.f32 v0;
	_ =	sdelay $0x8  }
0x43: {  	v0 =	vpop (erf)  }
0x44: {  	[tilespmem:s1+$0x0] =	vst v0  }
0x45: {  	v0 =	vld [tilespmem:s5+$0x10];
	_ =	sdelay $0x1  }
0x46: {  	v63 =	vld [tilespmem:s4+$0x10];
	_ =	sdelay $0x2  }
0x47: {  	v0 =	vmul.u32 $0x96, v0;
	_ =	sdelay $0x1  }
0x48: {  	v0 =	vadd.s32 v63, v0;
	_ =	sdelay $0x4  }
0x49: {  	v0 =	vld.idx.msk [tilespmem:v0+s14+$0x0], $0xffff;
	_ =	sdelay $0x4  }
0x4a: {  	v0 =	vadd.f32 $1.000000010e-10, v0;
	_ =	sdelay $0x1  }
0x4b: {  	(erf) = vrcp.f32 v0;
	_ =	sdelay $0x3  }
0x4c: {  	s0 =	sadd.s32 $0x4, s0  }
0x4d: {  	p0 =	slt.u32 s0, $0x3C  }
.Ltmp0:
0x4e: {  	_ = 	snop;
	(pc) =	sbr.rel @p0 .LBB2_3-.Ltmp0, $3  }
0x4f: {  	_ =	sdelay $0x1  }
0x50: {  	v0 =	vpop (erf)  }
0x51: {  	s5 =	sadd.s32 $0x40, s5;
	s4 =	sadd.s32 $0x40, s4;
	[tilespmem:s1+$0x80] =	vst v0;
	s1 =	sadd.s32 $0x200, s1  }
0x52: {  	s0 =	rddreg [dreg:$0xa]  }
0x53: {  	s29 =	smul.u32 $0xA, s26;
	s0 =	sor.u32 s0, s26  }
0x54: {  	s1 =	rddreg [dreg:$0xb];
	s31 =	simm.s32 $0x0;
	s0 =	sshll.u32 s0, $0xA  }
0x55: {  	s30 =	sadd.s32 s0, s1;
	s0 =	simm.s32 $0x96F;
	s1 =	simm.s32 $0x0  }
.LBB2_5:
0x56: {  	s4 =	sor.u32 s29, s1  }
0x57: {  	p0 =	seq.s32 s4, $0x0  }
0x58: {  	s4 =	simm.s32 @!p0 $0x1  }
0x59: {  	_ =	swait.ge @!p0 [sflag:s4], $0x3C00  }
0x5a: {  	s15 =	sshll.u32 s1, $0x1;
	[sflag:s4] =	ssyncset.done @!p0 $0x0  }
0x5b: {  	s9 =	simm.s32 $0x15540;
	[sflag:s4] =	ssyncadd.s32 @!p0 $0xFFFFC400;
	s4 =	simm.s32 $0x0  }
.LBB2_6:
0x5c: {  	s5 =	sshll.u32 s4, $0x7  }
0x5d: {  	s5 =	sor.u32 s28, s5  }
0x5e: {  	s6 =	sshll.u32 s4, $0xA;
	v20 =	vld [tilespmem:s5+$0x11500]  }
0x5f: {  	s6 =	sand.u32 $0x3FFFFC00, s6;
	v21 =	vld [tilespmem:s5+$0x12500]  }
0x60: {  	v19 =	vld [tilespmem:s6+$0x13500]  }
0x61: {  	v22 =	vld [tilespmem:s5+$0x11510]  }
0x62: {  	v23 =	vld [tilespmem:s5+$0x12510]  }
0x63: {  	v16 =	vld [tilespmem:s6+$0x13580]  }
0x64: {  	v17 =	vld [tilespmem:s5+$0x11520]  }
0x65: {  	v18 =	vld [tilespmem:s5+$0x12520]  }
0x66: {  	v13 =	vld [tilespmem:s6+$0x13600]  }
0x67: {  	s10 =	sadd.s32 $0x0, s31;
	v14 =	vld [tilespmem:s5+$0x11530]  }
0x68: {  	v15 =	vld [tilespmem:s5+$0x12530];
	v0 =	vadd.s32 s10, v20  }
0x69: {  	v10 =	vld [tilespmem:s6+$0x13680];
	v1 =	vadd.s32 s10, v21  }
0x6a: {  	v11 =	vld [tilespmem:s5+$0x11540]  }
0x6b: {  	v12 =	vld [tilespmem:s5+$0x12540]  }
0x6c: {  	v7 =	vld [tilespmem:s6+$0x13700]  }
0x6d: {  	v0 =	vld.idx.msk [tilespmem:v0+s3+$0x0], $0xffff  }
0x6e: {  	v2 =	vld.idx.msk [tilespmem:v1+s13+$0x0], $0xffff  }
0x6f: {  	v8 =	vld [tilespmem:s5+$0x11550]  }
0x70: {  	v9 =	vld [tilespmem:s5+$0x12550]  }
0x71: {  	v4 =	vld [tilespmem:s6+$0x13780]  }
0x72: {  	v6 =	vld [tilespmem:s5+$0x11560]  }
0x73: {  	v5 =	vld [tilespmem:s5+$0x12560];
	v24 =	vadd.s32 s10, v22;
	v0 =	vmul.f32 v2, v0  }
0x74: {  	v3 =	vld [tilespmem:s5+$0x12570];
	v25 =	vadd.s32 s10, v23  }
0x75: {  	s7 =	sadd.s32 $0xA1, s31;
	v1 =	vld [tilespmem:s6+$0x13800];
	v26 =	vmul.f32 v0, v19  }
0x76: {  	v27 =	vadd.s32 s7, v20;
	v2 =	vld [tilespmem:s5+$0x11570]  }
0x77: {  	v0 =	vld [tilespmem:s6+$0x13880];
	[tilespmem:s9+$0xFFFFFFC0] =	vst v26;
	v26 =	vadd.s32 s7, v21  }
0x78: {  	v24 =	vld.idx.msk [tilespmem:v24+s3+$0x0], $0xffff  }
0x79: {  	v25 =	vld.idx.msk [tilespmem:v25+s13+$0x0], $0xffff;
	_ =	sdelay $0x1  }
0x7a: {  	v27 =	vld.idx.msk [tilespmem:v27+s3+$0x0], $0xffff  }
0x7b: {  	v26 =	vld.idx.msk [tilespmem:v26+s13+$0x0], $0xffff;
	_ =	sdelay $0x1  }
0x7c: {  	v24 =	vmul.f32 v25, v24;
	v25 =	vadd.s32 s10, v17  }
0x7d: {  	v28 =	vadd.s32 s10, v18  }
0x7e: {  	v24 =	vmul.f32 v24, v16  }
0x7f: {  	v26 =	vmul.f32 v26, v27;
	v27 =	vadd.s32 s7, v22  }
0x80: {  	[tilespmem:s9+$0xFFFFFFD0] =	vst v24;
	v24 =	vadd.s32 s7, v23  }
0x81: {  	s8 =	sadd.s32 $0x142, s31;
	v25 =	vld.idx.msk [tilespmem:v25+s3+$0x0], $0xffff;
	v26 =	vmul.f32 v26, v19  }
0x82: {  	v29 =	vadd.s32 s8, v20;
	s5 =	sadd.s32 $0x400, s9;
	v28 =	vld.idx.msk [tilespmem:v28+s13+$0x0], $0xffff  }
0x83: {  	[tilespmem:s5+$0xFFFFFFC0] =	vst v26;
	v26 =	vadd.s32 s8, v21  }
0x84: {  	v27 =	vld.idx.msk [tilespmem:v27+s3+$0x0], $0xffff  }
0x85: {  	v24 =	vld.idx.msk [tilespmem:v24+s13+$0x0], $0xffff;
	_ =	sdelay $0x1  }
0x86: {  	v29 =	vld.idx.msk [tilespmem:v29+s3+$0x0], $0xffff;
	v25 =	vmul.f32 v28, v25;
	v28 =	vadd.s32 s10, v14  }
0x87: {  	v30 =	vadd.s32 s10, v15;
	v26 =	vld.idx.msk [tilespmem:v26+s13+$0x0], $0xffff  }
0x88: {  	v25 =	vmul.f32 v25, v13  }
0x89: {  	v24 =	vmul.f32 v24, v27;
	v27 =	vadd.s32 s7, v17  }
0x8a: {  	[tilespmem:s9+$0xFFFFFFE0] =	vst v25;
	v25 =	vadd.s32 s7, v18  }
0x8b: {  	v28 =	vld.idx.msk [tilespmem:v28+s3+$0x0], $0xffff;
	v24 =	vmul.f32 v24, v16  }
0x8c: {  	v30 =	vld.idx.msk [tilespmem:v30+s13+$0x0], $0xffff;
	v26 =	vmul.f32 v26, v29;
	v29 =	vadd.s32 s8, v22  }
0x8d: {  	[tilespmem:s5+$0xFFFFFFD0] =	vst v24;
	v24 =	vadd.s32 s8, v23  }
0x8e: {  	s11 =	sadd.s32 $0x1E3, s31;
	v27 =	vld.idx.msk [tilespmem:v27+s3+$0x0], $0xffff;
	v26 =	vmul.f32 v26, v19  }
0x8f: {  	v31 =	vadd.s32 s11, v20;
	s6 =	sadd.s32 $0x400, s5;
	v25 =	vld.idx.msk [tilespmem:v25+s13+$0x0], $0xffff  }
0x90: {  	v32 =	vadd.s32 s11, v21;
	[tilespmem:s6+$0xFFFFFFC0] =	vst v26  }
0x91: {  	v26 =	vmul.f32 v30, v28;
	v28 =	vadd.s32 s10, v11;
	v29 =	vld.idx.msk [tilespmem:v29+s3+$0x0], $0xffff  }
0x92: {  	v30 =	vadd.s32 s10, v12;
	v24 =	vld.idx.msk [tilespmem:v24+s13+$0x0], $0xffff  }
0x93: {  	v26 =	vmul.f32 v26, v10  }
0x94: {  	v31 =	vld.idx.msk [tilespmem:v31+s3+$0x0], $0xffff;
	v25 =	vmul.f32 v25, v27  }
0x95: {  	v27 =	vadd.s32 s7, v14;
	[tilespmem:s9+$0xFFFFFFF0] =	vst v26;
	v26 =	vld.idx.msk [tilespmem:v32+s13+$0x0], $0xffff  }
0x96: {  	v56 =	vadd.s32 s7, v15;
	v25 =	vmul.f32 v25, v13;
	v28 =	vld.idx.msk [tilespmem:v28+s3+$0x0], $0xffff  }
0x97: {  	v30 =	vld.idx.msk [tilespmem:v30+s13+$0x0], $0xffff;
	v24 =	vmul.f32 v24, v29;
	v29 =	vadd.s32 s8, v17  }
0x98: {  	[tilespmem:s5+$0xFFFFFFE0] =	vst v25;
	v25 =	vadd.s32 s8, v18  }
0x99: {  	v24 =	vmul.f32 v24, v16  }
0x9a: {  	v27 =	vld.idx.msk [tilespmem:v27+s3+$0x0], $0xffff;
	v26 =	vmul.f32 v26, v31;
	v31 =	vadd.s32 s11, v22  }
0x9b: {  	v33 =	vadd.s32 s11, v23;
	v32 =	vld.idx.msk [tilespmem:v56+s13+$0x0], $0xffff;
	[tilespmem:s6+$0xFFFFFFD0] =	vst v24  }
0x9c: {  	v24 =	vmul.f32 v26, v19;
	v26 =	vmul.f32 v30, v28;
	v28 =	vadd.s32 s10, v8;
	v29 =	vld.idx.msk [tilespmem:v29+s3+$0x0], $0xffff  }
0x9d: {  	s22 =	sadd.s32 $0x284, s31;
	s21 =	sadd.s32 $0x400, s6;
	v30 =	vadd.s32 s10, v9;
	v25 =	vld.idx.msk [tilespmem:v25+s13+$0x0], $0xffff  }
0x9e: {  	v34 =	vadd.s32 s22, v20;
	[tilespmem:s21+$0xFFFFFFC0] =	vst v24;
	v24 =	vmul.f32 v26, v7  }
0x9f: {  	v26 =	vadd.s32 s22, v21;
	v31 =	vld.idx.msk [tilespmem:v31+s3+$0x0], $0xffff  }
0xa0: {  	v58 =	vadd.s32 s7, v11;
	v27 =	vmul.f32 v32, v27;
	v57 =	vld.idx.msk [tilespmem:v33+s13+$0x0], $0xffff;
	[tilespmem:s9+$0x0] =	vst v24  }
0xa1: {  	v24 =	vadd.s32 s7, v12;
	v28 =	vld.idx.msk [tilespmem:v28+s3+$0x0], $0xffff  }
0xa2: {  	v27 =	vmul.f32 v27, v10;
	v30 =	vld.idx.msk [tilespmem:v30+s13+$0x0], $0xffff;
	v25 =	vmul.f32 v25, v29;
	v29 =	vadd.s32 s8, v14  }
0xa3: {  	s23 =	sadd.s32 $0x325, s31;
	v35 =	vadd.s32 s8, v15;
	v34 =	vld.idx.msk [tilespmem:v34+s3+$0x0], $0xffff  }
0xa4: {  	v38 =	vadd.s32 s23, v21;
	[tilespmem:s5+$0xFFFFFFF0] =	vst v27;
	v26 =	vld.idx.msk [tilespmem:v26+s13+$0x0], $0xffff;
	v25 =	vmul.f32 v25, v13  }
0xa5: {  	v59 =	vadd.s32 s11, v17;
	v27 =	vld.idx.msk [tilespmem:v58+s3+$0x0], $0xffff;
	v31 =	vmul.f32 v57, v31  }
0xa6: {  	v60 =	vadd.s32 s11, v18;
	v24 =	vld.idx.msk [tilespmem:v24+s13+$0x0], $0xffff;
	[tilespmem:s6+$0xFFFFFFE0] =	vst v25  }
0xa7: {  	v25 =	vmul.f32 v31, v16;
	v28 =	vmul.f32 v30, v28;
	v30 =	vadd.s32 s10, v6;
	v29 =	vld.idx.msk [tilespmem:v29+s3+$0x0], $0xffff  }
0xa8: {  	v31 =	vadd.s32 s10, v5;
	v35 =	vld.idx.msk [tilespmem:v35+s13+$0x0], $0xffff  }
0xa9: {  	v61 =	vadd.s32 s22, v22;
	v26 =	vmul.f32 v26, v34;
	[tilespmem:s21+$0xFFFFFFD0] =	vst v25;
	v25 =	vmul.f32 v28, v4;
	v34 =	vld.idx.msk [tilespmem:v38+s13+$0x0], $0xffff  }
0xaa: {  	v28 =	vadd.s32 s22, v23;
	v32 =	vld.idx.msk [tilespmem:v59+s3+$0x0], $0xffff  }
0xab: {  	v33 =	vld.idx.msk [tilespmem:v60+s13+$0x0], $0xffff;
	v26 =	vmul.f32 v26, v19;
	v24 =	vmul.f32 v24, v27;
	v27 =	vadd.s32 s7, v8;
	[tilespmem:s9+$0x10] =	vst v25  }
0xac: {  	v36 =	vadd.s32 s7, v9;
	s12 =	sadd.s32 $0x400, s21;
	v30 =	vld.idx.msk [tilespmem:v30+s3+$0x0], $0xffff  }
0xad: {  	v37 =	vadd.s32 s23, v20;
	v31 =	vld.idx.msk [tilespmem:v31+s13+$0x0], $0xffff;
	[tilespmem:s12+$0xFFFFFFC0] =	vst v26;
	v24 =	vmul.f32 v24, v7  }
0xae: {  	v26 =	vmul.f32 v35, v29;
	v29 =	vadd.s32 s8, v11;
	v39 =	vld.idx.msk [tilespmem:v61+s3+$0x0], $0xffff  }
0xaf: {  	v62 =	vadd.s32 s8, v12;
	v28 =	vld.idx.msk [tilespmem:v28+s13+$0x0], $0xffff;
	[tilespmem:s5+$0x0] =	vst v24  }
0xb0: {  	v40 =	vadd.s32 s11, v14;
	v24 =	vmul.f32 v26, v10;
	v25 =	vld.idx.msk [tilespmem:v27+s3+$0x0], $0xffff;
	v27 =	vmul.f32 v33, v32  }
0xb1: {  	v26 =	vld.idx.msk [tilespmem:v36+s13+$0x0], $0xffff;
	v32 =	vadd.s32 s11, v15  }
0xb2: {  	v33 =	vld.idx.msk [tilespmem:v37+s3+$0x0], $0xffff;
	[tilespmem:s6+$0xFFFFFFF0] =	vst v24;
	v31 =	vmul.f32 v31, v30;
	v63 =	vmul.f32 v27, v13;
	v27 =	vadd.s32 s10, v2  }
0xb3: {  	v24 =	vadd.s32 s10, v3;
	v29 =	vld.idx.msk [tilespmem:v29+s3+$0x0], $0xffff  }
0xb4: {  	v35 =	vadd.s32 s22, v17;
	v30 =	vld.idx.msk [tilespmem:v62+s13+$0x0], $0xffff;
	v37 =	vmul.f32 v28, v39;
	v28 =	vmul.f32 v31, v1;
	[tilespmem:s21+$0xFFFFFFE0] =	vst v63  }
0xb5: {  	s16 =	smov.u32 s9;
	s24 =	smov.u32 s12;
	v36 =	vadd.s32 s22, v18;
	s10 =	simm.s32 $0x3C6;
	v31 =	vld.idx.msk [tilespmem:v40+s3+$0x0], $0xffff  }
.LBB2_7:
0xb6: {  	p0 =	sne.s32 s10, $0x8CE;
	v37 =	vmul.f32 v37, v16;
	v32 =	vld.idx.msk [tilespmem:v32+s13+$0x0], $0xffff;
	v25 =	vmul.f32 v26, v25;
	v26 =	vadd.s32 s7, v6;
	[tilespmem:s16+$0x20] =	vst v28  }
0xb7: {  	v28 =	vadd.s32 s7, v5;
	v27 =	vld.idx.msk [tilespmem:v27+s3+$0x0], $0xffff  }
0xb8: {  	v33 =	vmul.f32 v34, v33;
	v34 =	vadd.s32 s23, v22;
	[tilespmem:s12+$0xFFFFFFD0] =	vst v37;
	v25 =	vmul.f32 v25, v4;
	v24 =	vld.idx.msk [tilespmem:v24+s13+$0x0], $0xffff  }
0xb9: {  	v37 =	vadd.s32 s23, v23;
	v35 =	vld.idx.msk [tilespmem:v35+s3+$0x0], $0xffff  }
0xba: {  	v33 =	vmul.f32 v33, v19;
	v29 =	vmul.f32 v30, v29;
	v30 =	vadd.s32 s8, v8;
	v36 =	vld.idx.msk [tilespmem:v36+s13+$0x0], $0xffff;
	[tilespmem:s5+$0x10] =	vst v25  }
0xbb: {  	s25 =	sadd.s32 s10, s31;
	v38 =	vadd.s32 s8, v9;
	s12 =	sadd.s32 $0x400, s12;
	v39 =	vld.idx.msk [tilespmem:v26+s3+$0x0], $0xffff  }
0xbc: {  	v40 =	vadd.s32 s25, v20;
	v25 =	vmul.f32 v29, v7;
	[tilespmem:s12+$0xFFFFFFC0] =	vst v33;
	v28 =	vld.idx.msk [tilespmem:v28+s13+$0x0], $0xffff  }
0xbd: {  	v29 =	vadd.s32 s25, v21;
	v26 =	vmul.f32 v32, v31;
	v41 =	vld.idx.msk [tilespmem:v34+s3+$0x0], $0xffff  }
0xbe: {  	v24 =	vmul.f32 v24, v27;
	v31 =	vld.idx.msk [tilespmem:v37+s13+$0x0], $0xffff;
	v37 =	vadd.s32 s11, v11;
	[tilespmem:s6+$0x0] =	vst v25  }
0xbf: {  	v42 =	vadd.s32 s11, v12;
	v27 =	vmul.f32 v26, v10;
	v25 =	vld.idx.msk [tilespmem:v30+s3+$0x0], $0xffff  }
0xc0: {  	v43 =	vadd.s32 s22, v14;
	v30 =	vmul.f32 v36, v35;
	v24 =	vmul.f32 v24, v0;
	v26 =	vld.idx.msk [tilespmem:v38+s13+$0x0], $0xffff  }
.Ltmp1:
0xc1: {  	v32 =	vadd.s32 s22, v15;
	v33 =	vld.idx.msk [tilespmem:v40+s3+$0x0], $0xffff;
	[tilespmem:s21+$0xFFFFFFF0] =	vst v27;
	(pc) =	sbr.rel @p0 .LBB2_7-.Ltmp1, $4  }
0xc2: {  	v30 =	vmul.f32 v30, v13;
	v28 =	vmul.f32 v28, v39;
	v27 =	vadd.s32 s7, v2;
	v34 =	vld.idx.msk [tilespmem:v29+s13+$0x0], $0xffff;
	[tilespmem:s16+$0x30] =	vst v24;
	s16 =	smov.u32 s5;
	s5 =	smov.u32 s6;
	s6 =	smov.u32 s21  }
0xc3: {  	v24 =	vadd.s32 s7, v3;
	s7 =	smov.u32 s8;
	s8 =	smov.u32 s11;
	s11 =	smov.u32 s22;
	v29 =	vld.idx.msk [tilespmem:v37+s3+$0x0], $0xffff  }
0xc4: {  	v35 =	vadd.s32 s23, v17;
	s22 =	smov.u32 s23;
	s23 =	smov.u32 s25;
	s21 =	smov.u32 s24;
	v37 =	vmul.f32 v31, v41;
	v28 =	vmul.f32 v28, v1;
	[tilespmem:s24+$0xFFFFFFE0] =	vst v30;
	v30 =	vld.idx.msk [tilespmem:v42+s13+$0x0], $0xffff  }
0xc5: {  	s10 =	sadd.s32 $0xA1, s10;
	v36 =	vadd.s32 s22, v18;
	s24 =	smov.u32 s12;
	v31 =	vld.idx.msk [tilespmem:v43+s3+$0x0], $0xffff  }
0xc6: {  	_ = 	snop  }
0xc7: {  	v21 =	vadd.s32 s23, v22;
	v20 =	vmul.f32 v34, v33  }
0xc8: {  	v43 =	vadd.s32 s23, v23  }
0xc9: {  	v19 =	vmul.f32 v20, v19  }
0xca: {  	s10 =	sadd.s32 $0x400, s12  }
0xcb: {  	[tilespmem:s10+$0xFFFFFFC0] =	vst v19  }
0xcc: {  	v19 =	vld.idx.msk [tilespmem:v21+s3+$0x0], $0xffff  }
0xcd: {  	v44 =	vld.idx.msk [tilespmem:v43+s13+$0x0], $0xffff;
	_ =	sdelay $0x4  }
0xce: {  	v45 =	vmul.f32 v37, v16;
	v17 =	vadd.s32 s23, v17;
	v19 =	vmul.f32 v44, v19  }
0xcf: {  	v18 =	vadd.s32 s23, v18  }
0xd0: {  	[tilespmem:s12+$0xFFFFFFD0] =	vst v45;
	v46 =	vmul.f32 v19, v16  }
0xd1: {  	v47 =	vld.idx.msk [tilespmem:v35+s3+$0x0], $0xffff  }
0xd2: {  	v48 =	vld.idx.msk [tilespmem:v36+s13+$0x0], $0xffff;
	[tilespmem:s10+$0xFFFFFFD0] =	vst v46  }
0xd3: {  	v16 =	vld.idx.msk [tilespmem:v17+s3+$0x0], $0xffff  }
0xd4: {  	v49 =	vld.idx.msk [tilespmem:v18+s13+$0x0], $0xffff;
	_ =	sdelay $0x2  }
0xd5: {  	v51 =	vadd.s32 s22, v14;
	v55 =	vld.idx.msk [tilespmem:v32+s13+$0x0], $0xffff;
	v50 =	vmul.f32 v48, v47  }
0xd6: {  	v52 =	vadd.s32 s22, v15  }
0xd7: {  	v53 =	vadd.s32 s23, v14;
	v18 =	vmul.f32 v50, v13;
	v16 =	vmul.f32 v49, v16  }
0xd8: {  	v54 =	vadd.s32 s23, v15  }
0xd9: {  	[tilespmem:s24+$0xFFFFFFE0] =	vst v18;
	v56 =	vmul.f32 v16, v13  }
0xda: {  	v60 =	vadd.s32 s11, v11;
	v59 =	vmul.f32 v55, v31;
	v57 =	vld.idx.msk [tilespmem:v51+s3+$0x0], $0xffff  }
0xdb: {  	v61 =	vadd.s32 s11, v12;
	v18 =	vld.idx.msk [tilespmem:v52+s13+$0x0], $0xffff;
	[tilespmem:s10+$0xFFFFFFE0] =	vst v56  }
0xdc: {  	v15 =	vmul.f32 v59, v10;
	v13 =	vld.idx.msk [tilespmem:v53+s3+$0x0], $0xffff  }
0xdd: {  	v58 =	vld.idx.msk [tilespmem:v54+s13+$0x0], $0xffff  }
0xde: {  	[tilespmem:s21+$0xFFFFFFF0] =	vst v15  }
0xdf: {  	v32 =	vld.idx.msk [tilespmem:v60+s3+$0x0], $0xffff  }
0xe0: {  	v62 =	vadd.s32 s22, v11;
	v34 =	vld.idx.msk [tilespmem:v61+s13+$0x0], $0xffff;
	v16 =	vmul.f32 v18, v57  }
0xe1: {  	v63 =	vadd.s32 s22, v12  }
0xe2: {  	v31 =	vadd.s32 s23, v11;
	v23 =	vmul.f32 v16, v10;
	v13 =	vmul.f32 v58, v13  }
0xe3: {  	v33 =	vadd.s32 s23, v12  }
0xe4: {  	[tilespmem:s24+$0xFFFFFFF0] =	vst v23;
	v35 =	vmul.f32 v13, v10  }
0xe5: {  	v40 =	vadd.s32 s11, v8;
	v14 =	vmul.f32 v34, v32;
	v36 =	vld.idx.msk [tilespmem:v62+s3+$0x0], $0xffff  }
0xe6: {  	v41 =	vadd.s32 s11, v9;
	v15 =	vld.idx.msk [tilespmem:v63+s13+$0x0], $0xffff;
	[tilespmem:s10+$0xFFFFFFF0] =	vst v35  }
0xe7: {  	v42 =	vmul.f32 v14, v7;
	v11 =	vld.idx.msk [tilespmem:v31+s3+$0x0], $0xffff  }
0xe8: {  	v12 =	vld.idx.msk [tilespmem:v33+s13+$0x0], $0xffff  }
0xe9: {  	v38 =	vadd.s32 s8, v8;
	v37 =	vmul.f32 v30, v29;
	[tilespmem:s21+$0x0] =	vst v42  }
0xea: {  	v39 =	vadd.s32 s8, v9;
	v48 =	vld.idx.msk [tilespmem:v40+s3+$0x0], $0xffff  }
0xeb: {  	v43 =	vadd.s32 s22, v8;
	v50 =	vld.idx.msk [tilespmem:v41+s13+$0x0], $0xffff;
	v10 =	vmul.f32 v37, v7;
	v13 =	vmul.f32 v15, v36  }
0xec: {  	v45 =	vadd.s32 s22, v9  }
0xed: {  	v47 =	vadd.s32 s23, v8;
	[tilespmem:s6+$0x0] =	vst v10;
	v46 =	vmul.f32 v13, v7;
	v11 =	vmul.f32 v12, v11  }
0xee: {  	v49 =	vadd.s32 s23, v9;
	v44 =	vld.idx.msk [tilespmem:v38+s3+$0x0], $0xffff  }
0xef: {  	v18 =	vld.idx.msk [tilespmem:v39+s13+$0x0], $0xffff;
	[tilespmem:s24+$0x0] =	vst v46;
	v51 =	vmul.f32 v11, v7  }
0xf0: {  	v61 =	vmul.f32 v50, v48;
	v62 =	vadd.s32 s11, v6;
	v14 =	vld.idx.msk [tilespmem:v43+s3+$0x0], $0xffff  }
0xf1: {  	v63 =	vadd.s32 s11, v5;
	v17 =	vld.idx.msk [tilespmem:v45+s13+$0x0], $0xffff;
	[tilespmem:s10+$0x0] =	vst v51  }
0xf2: {  	v52 =	vmul.f32 v26, v25;
	v54 =	vadd.s32 s7, v5;
	v21 =	vmul.f32 v61, v4;
	v8 =	vld.idx.msk [tilespmem:v47+s3+$0x0], $0xffff  }
0xf3: {  	[tilespmem:s16+$0x20] =	vst v28;
	v53 =	vadd.s32 s7, v6;
	v9 =	vld.idx.msk [tilespmem:v49+s13+$0x0], $0xffff  }
0xf4: {  	v59 =	vld.idx.msk [tilespmem:v27+s3+$0x0], $0xffff;
	v55 =	vmul.f32 v52, v4;
	v57 =	vadd.s32 s8, v6;
	[tilespmem:s21+$0x10] =	vst v21;
	v56 =	vmul.f32 v18, v44  }
0xf5: {  	v58 =	vadd.s32 s8, v5;
	v28 =	vld.idx.msk [tilespmem:v62+s3+$0x0], $0xffff  }
0xf6: {  	[tilespmem:s5+$0x10] =	vst v55;
	v23 =	vadd.s32 s22, v6;
	v30 =	vld.idx.msk [tilespmem:v63+s13+$0x0], $0xffff;
	v60 =	vmul.f32 v56, v4;
	v22 =	vmul.f32 v17, v14  }
0xf7: {  	v25 =	vadd.s32 s22, v5;
	v16 =	vld.idx.msk [tilespmem:v54+s13+$0x0], $0xffff  }
0xf8: {  	v27 =	vadd.s32 s23, v6;
	v11 =	vld.idx.msk [tilespmem:v53+s3+$0x0], $0xffff;
	[tilespmem:s6+$0x10] =	vst v60;
	v26 =	vmul.f32 v22, v4;
	v8 =	vmul.f32 v9, v8  }
0xf9: {  	v29 =	vadd.s32 s23, v5;
	v15 =	vld.idx.msk [tilespmem:v57+s3+$0x0], $0xffff  }
0xfa: {  	v18 =	vld.idx.msk [tilespmem:v58+s13+$0x0], $0xffff;
	[tilespmem:s24+$0x10] =	vst v26;
	v31 =	vmul.f32 v8, v4  }
0xfb: {  	v43 =	vmul.f32 v30, v28;
	v45 =	vadd.s32 s11, v3;
	v34 =	vld.idx.msk [tilespmem:v23+s3+$0x0], $0xffff  }
0xfc: {  	v44 =	vadd.s32 s11, v2;
	v36 =	vld.idx.msk [tilespmem:v25+s13+$0x0], $0xffff;
	[tilespmem:s10+$0x10] =	vst v31  }
0xfd: {  	v33 =	vadd.s32 s7, v2;
	v46 =	vmul.f32 v43, v1;
	v32 =	vmul.f32 v16, v11;
	v6 =	vld.idx.msk [tilespmem:v27+s3+$0x0], $0xffff  }
0xfe: {  	v35 =	vadd.s32 s7, v3;
	v5 =	vld.idx.msk [tilespmem:v29+s13+$0x0], $0xffff  }
0xff: {  	v41 =	vld.idx.msk [tilespmem:v24+s13+$0x0], $0xffff;
	v39 =	vadd.s32 s8, v2;
	[tilespmem:s21+$0x20] =	vst v46;
	v37 =	vmul.f32 v32, v1;
	v38 =	vmul.f32 v18, v15  }
0x100: {  	v40 =	vadd.s32 s8, v3;
	v55 =	vld.idx.msk [tilespmem:v45+s13+$0x0], $0xffff  }
0x101: {  	v48 =	vadd.s32 s22, v2;
	v53 =	vld.idx.msk [tilespmem:v44+s3+$0x0], $0xffff;
	[tilespmem:s5+$0x20] =	vst v37;
	v42 =	vmul.f32 v38, v1;
	v47 =	vmul.f32 v36, v34  }
0x102: {  	v50 =	vadd.s32 s22, v3;
	v8 =	vld.idx.msk [tilespmem:v33+s3+$0x0], $0xffff  }
0x103: {  	v52 =	vadd.s32 s23, v2;
	v12 =	vld.idx.msk [tilespmem:v35+s13+$0x0], $0xffff;
	[tilespmem:s6+$0x20] =	vst v42;
	v51 =	vmul.f32 v47, v1;
	v5 =	vmul.f32 v5, v6  }
0x104: {  	v54 =	vadd.s32 s23, v3;
	v49 =	vld.idx.msk [tilespmem:v39+s3+$0x0], $0xffff  }
0x105: {  	v15 =	vld.idx.msk [tilespmem:v40+s13+$0x0], $0xffff;
	[tilespmem:s24+$0x20] =	vst v51;
	v56 =	vmul.f32 v5, v1  }
0x106: {  	v4 =	vld.idx.msk [tilespmem:v48+s3+$0x0], $0xffff  }
0x107: {  	v57 =	vld.idx.msk [tilespmem:v50+s13+$0x0], $0xffff;
	[tilespmem:s10+$0x20] =	vst v56  }
0x108: {  	v1 =	vld.idx.msk [tilespmem:v52+s3+$0x0], $0xffff  }
0x109: {  	v58 =	vmul.f32 v41, v59;
	v3 =	vld.idx.msk [tilespmem:v54+s13+$0x0], $0xffff  }
0x10a: {  	v8 =	vmul.f32 v12, v8  }
0x10b: {  	v2 =	vmul.f32 v58, v0;
	v59 =	vmul.f32 v15, v49  }
0x10c: {  	s4 =	sadd.s32 $0x1, s4;
	v8 =	vmul.f32 v8, v0;
	v6 =	vmul.f32 v55, v53  }
0x10d: {  	p0 =	sne.s32 s4, $0x8;
	[tilespmem:s16+$0x30] =	vst v2;
	v60 =	vmul.f32 v59, v0;
	v4 =	vmul.f32 v57, v4  }
.Ltmp2:
0x10e: {  	[tilespmem:s5+$0x30] =	vst v8;
	v61 =	vmul.f32 v6, v0;
	v1 =	vmul.f32 v3, v1;
	(pc) =	sbr.rel @p0 .LBB2_6-.Ltmp2, $4  }
0x10f: {  	[tilespmem:s6+$0x30] =	vst v60;
	v62 =	vmul.f32 v4, v0  }
0x110: {  	[tilespmem:s21+$0x30] =	vst v61;
	v63 =	vmul.f32 v1, v0  }
0x111: {  	[tilespmem:s24+$0x30] =	vst v62  }
0x112: {  	s9 =	sadd.s32 $0x80, s9;
	[tilespmem:s10+$0x30] =	vst v63  }
0x113: {  	s4 =	smul.u32 $0x78000, s1;
	_ =	sdelay $0x1  }
0x114: {  	s15 =	sor.u32 $0x1, s15;
	s4 =	sadd.s32 s30, s4  }
0x115: {  	s25 =	sadd.s32 s29, s15;
	s4 =	sshrl.u32 s4, $0x3  }
0x116: {  	p0 =	seq.s32 s25, $0x1;
	s4 =	sadd.s32 s2, s4  }
0x117: {  	[hbm4b:s4+s17] =	stream.strided.scatter [tilespmem:s19], [sflag:$0x1], $0x3C00, s18, s17, $0x38;
	[tilespmem:$0x1CD00] =	vst v63  }
0x118: {  	s4 =	simm.s32 @!p0 $0x2  }
0x119: {  	_ =	swait.ge @!p0 [sflag:s4], $0x3C00  }
0x11a: {  	[sflag:s4] =	ssyncset.done @!p0 $0x0  }
0x11b: {  	s16 =	simm.s32 $0x0;
	[sflag:s4] =	ssyncadd.s32 @!p0 $0xFFFFC400;
	s4 =	simm.s32 $0x19140  }
.LBB2_10:
0x11c: {  	s5 =	sshll.u32 s16, $0x7  }
0x11d: {  	s5 =	sor.u32 s28, s5  }
0x11e: {  	s6 =	sshll.u32 s16, $0xA;
	v20 =	vld [tilespmem:s5+$0x11500]  }
0x11f: {  	s6 =	sand.u32 $0x3FFFFC00, s6;
	v21 =	vld [tilespmem:s5+$0x12500]  }
0x120: {  	v19 =	vld [tilespmem:s6+$0x13500]  }
0x121: {  	v22 =	vld [tilespmem:s5+$0x11510]  }
0x122: {  	v23 =	vld [tilespmem:s5+$0x12510]  }
0x123: {  	v16 =	vld [tilespmem:s6+$0x13580]  }
0x124: {  	v17 =	vld [tilespmem:s5+$0x11520]  }
0x125: {  	v18 =	vld [tilespmem:s5+$0x12520]  }
0x126: {  	v13 =	vld [tilespmem:s6+$0x13600]  }
0x127: {  	s9 =	sadd.s32 $0x0, s0;
	v14 =	vld [tilespmem:s5+$0x11530]  }
0x128: {  	v15 =	vld [tilespmem:s5+$0x12530];
	v0 =	vadd.s32 s9, v20  }
0x129: {  	v10 =	vld [tilespmem:s6+$0x13680];
	v1 =	vadd.s32 s9, v21  }
0x12a: {  	v11 =	vld [tilespmem:s5+$0x11540]  }
0x12b: {  	v12 =	vld [tilespmem:s5+$0x12540]  }
0x12c: {  	v7 =	vld [tilespmem:s6+$0x13700]  }
0x12d: {  	v0 =	vld.idx.msk [tilespmem:v0+s3+$0x0], $0xffff  }
0x12e: {  	v2 =	vld.idx.msk [tilespmem:v1+s13+$0x0], $0xffff  }
0x12f: {  	v8 =	vld [tilespmem:s5+$0x11550]  }
0x130: {  	v9 =	vld [tilespmem:s5+$0x12550]  }
0x131: {  	v4 =	vld [tilespmem:s6+$0x13780]  }
0x132: {  	v6 =	vld [tilespmem:s5+$0x11560]  }
0x133: {  	v5 =	vld [tilespmem:s5+$0x12560];
	v24 =	vadd.s32 s9, v22;
	v0 =	vmul.f32 v2, v0  }
0x134: {  	v3 =	vld [tilespmem:s5+$0x12570];
	v25 =	vadd.s32 s9, v23  }
0x135: {  	s7 =	sadd.s32 $0xA1, s0;
	v1 =	vld [tilespmem:s6+$0x13800];
	v26 =	vmul.f32 v0, v19  }
0x136: {  	v27 =	vadd.s32 s7, v20;
	v2 =	vld [tilespmem:s5+$0x11570]  }
0x137: {  	v0 =	vld [tilespmem:s6+$0x13880];
	[tilespmem:s4+$0xFFFFFFC0] =	vst v26;
	v26 =	vadd.s32 s7, v21  }
0x138: {  	v24 =	vld.idx.msk [tilespmem:v24+s3+$0x0], $0xffff  }
0x139: {  	v25 =	vld.idx.msk [tilespmem:v25+s13+$0x0], $0xffff;
	_ =	sdelay $0x1  }
0x13a: {  	v27 =	vld.idx.msk [tilespmem:v27+s3+$0x0], $0xffff  }
0x13b: {  	v26 =	vld.idx.msk [tilespmem:v26+s13+$0x0], $0xffff;
	_ =	sdelay $0x1  }
0x13c: {  	v24 =	vmul.f32 v25, v24;
	v25 =	vadd.s32 s9, v17  }
0x13d: {  	v28 =	vadd.s32 s9, v18  }
0x13e: {  	v24 =	vmul.f32 v24, v16  }
0x13f: {  	v26 =	vmul.f32 v26, v27;
	v27 =	vadd.s32 s7, v22  }
0x140: {  	[tilespmem:s4+$0xFFFFFFD0] =	vst v24;
	v24 =	vadd.s32 s7, v23  }
0x141: {  	s8 =	sadd.s32 $0x142, s0;
	v25 =	vld.idx.msk [tilespmem:v25+s3+$0x0], $0xffff;
	v26 =	vmul.f32 v26, v19  }
0x142: {  	v29 =	vadd.s32 s8, v20;
	s5 =	sadd.s32 $0x400, s4;
	v28 =	vld.idx.msk [tilespmem:v28+s13+$0x0], $0xffff  }
0x143: {  	[tilespmem:s5+$0xFFFFFFC0] =	vst v26;
	v26 =	vadd.s32 s8, v21  }
0x144: {  	v27 =	vld.idx.msk [tilespmem:v27+s3+$0x0], $0xffff  }
0x145: {  	v24 =	vld.idx.msk [tilespmem:v24+s13+$0x0], $0xffff;
	_ =	sdelay $0x1  }
0x146: {  	v29 =	vld.idx.msk [tilespmem:v29+s3+$0x0], $0xffff;
	v25 =	vmul.f32 v28, v25;
	v28 =	vadd.s32 s9, v14  }
0x147: {  	v30 =	vadd.s32 s9, v15;
	v26 =	vld.idx.msk [tilespmem:v26+s13+$0x0], $0xffff  }
0x148: {  	v25 =	vmul.f32 v25, v13  }
0x149: {  	v24 =	vmul.f32 v24, v27;
	v27 =	vadd.s32 s7, v17  }
0x14a: {  	[tilespmem:s4+$0xFFFFFFE0] =	vst v25;
	v25 =	vadd.s32 s7, v18  }
0x14b: {  	v28 =	vld.idx.msk [tilespmem:v28+s3+$0x0], $0xffff;
	v24 =	vmul.f32 v24, v16  }
0x14c: {  	v30 =	vld.idx.msk [tilespmem:v30+s13+$0x0], $0xffff;
	v26 =	vmul.f32 v26, v29;
	v29 =	vadd.s32 s8, v22  }
0x14d: {  	[tilespmem:s5+$0xFFFFFFD0] =	vst v24;
	v24 =	vadd.s32 s8, v23  }
0x14e: {  	s11 =	sadd.s32 $0x1E3, s0;
	v27 =	vld.idx.msk [tilespmem:v27+s3+$0x0], $0xffff;
	v26 =	vmul.f32 v26, v19  }
0x14f: {  	v31 =	vadd.s32 s11, v20;
	s6 =	sadd.s32 $0x400, s5;
	v25 =	vld.idx.msk [tilespmem:v25+s13+$0x0], $0xffff  }
0x150: {  	v32 =	vadd.s32 s11, v21;
	[tilespmem:s6+$0xFFFFFFC0] =	vst v26  }
0x151: {  	v26 =	vmul.f32 v30, v28;
	v28 =	vadd.s32 s9, v11;
	v29 =	vld.idx.msk [tilespmem:v29+s3+$0x0], $0xffff  }
0x152: {  	v30 =	vadd.s32 s9, v12;
	v24 =	vld.idx.msk [tilespmem:v24+s13+$0x0], $0xffff  }
0x153: {  	v26 =	vmul.f32 v26, v10  }
0x154: {  	v31 =	vld.idx.msk [tilespmem:v31+s3+$0x0], $0xffff;
	v25 =	vmul.f32 v25, v27  }
0x155: {  	v27 =	vadd.s32 s7, v14;
	[tilespmem:s4+$0xFFFFFFF0] =	vst v26;
	v26 =	vld.idx.msk [tilespmem:v32+s13+$0x0], $0xffff  }
0x156: {  	v56 =	vadd.s32 s7, v15;
	v25 =	vmul.f32 v25, v13;
	v28 =	vld.idx.msk [tilespmem:v28+s3+$0x0], $0xffff  }
0x157: {  	v30 =	vld.idx.msk [tilespmem:v30+s13+$0x0], $0xffff;
	v24 =	vmul.f32 v24, v29;
	v29 =	vadd.s32 s8, v17  }
0x158: {  	[tilespmem:s5+$0xFFFFFFE0] =	vst v25;
	v25 =	vadd.s32 s8, v18  }
0x159: {  	v24 =	vmul.f32 v24, v16  }
0x15a: {  	v27 =	vld.idx.msk [tilespmem:v27+s3+$0x0], $0xffff;
	v26 =	vmul.f32 v26, v31;
	v31 =	vadd.s32 s11, v22  }
0x15b: {  	v33 =	vadd.s32 s11, v23;
	v32 =	vld.idx.msk [tilespmem:v56+s13+$0x0], $0xffff;
	[tilespmem:s6+$0xFFFFFFD0] =	vst v24  }
0x15c: {  	v24 =	vmul.f32 v26, v19;
	v26 =	vmul.f32 v30, v28;
	v28 =	vadd.s32 s9, v8;
	v29 =	vld.idx.msk [tilespmem:v29+s3+$0x0], $0xffff  }
0x15d: {  	s22 =	sadd.s32 $0x284, s0;
	s21 =	sadd.s32 $0x400, s6;
	v30 =	vadd.s32 s9, v9;
	v25 =	vld.idx.msk [tilespmem:v25+s13+$0x0], $0xffff  }
0x15e: {  	v34 =	vadd.s32 s22, v20;
	[tilespmem:s21+$0xFFFFFFC0] =	vst v24;
	v24 =	vmul.f32 v26, v7  }
0x15f: {  	v26 =	vadd.s32 s22, v21;
	v31 =	vld.idx.msk [tilespmem:v31+s3+$0x0], $0xffff  }
0x160: {  	v58 =	vadd.s32 s7, v11;
	v27 =	vmul.f32 v32, v27;
	v57 =	vld.idx.msk [tilespmem:v33+s13+$0x0], $0xffff;
	[tilespmem:s4+$0x0] =	vst v24  }
0x161: {  	v24 =	vadd.s32 s7, v12;
	v28 =	vld.idx.msk [tilespmem:v28+s3+$0x0], $0xffff  }
0x162: {  	v27 =	vmul.f32 v27, v10;
	v30 =	vld.idx.msk [tilespmem:v30+s13+$0x0], $0xffff;
	v25 =	vmul.f32 v25, v29;
	v29 =	vadd.s32 s8, v14  }
0x163: {  	s23 =	sadd.s32 $0x325, s0;
	v35 =	vadd.s32 s8, v15;
	v34 =	vld.idx.msk [tilespmem:v34+s3+$0x0], $0xffff  }
0x164: {  	v38 =	vadd.s32 s23, v21;
	[tilespmem:s5+$0xFFFFFFF0] =	vst v27;
	v26 =	vld.idx.msk [tilespmem:v26+s13+$0x0], $0xffff;
	v25 =	vmul.f32 v25, v13  }
0x165: {  	v59 =	vadd.s32 s11, v17;
	v27 =	vld.idx.msk [tilespmem:v58+s3+$0x0], $0xffff;
	v31 =	vmul.f32 v57, v31  }
0x166: {  	v60 =	vadd.s32 s11, v18;
	v24 =	vld.idx.msk [tilespmem:v24+s13+$0x0], $0xffff;
	[tilespmem:s6+$0xFFFFFFE0] =	vst v25  }
0x167: {  	v25 =	vmul.f32 v31, v16;
	v28 =	vmul.f32 v30, v28;
	v30 =	vadd.s32 s9, v6;
	v29 =	vld.idx.msk [tilespmem:v29+s3+$0x0], $0xffff  }
0x168: {  	v31 =	vadd.s32 s9, v5;
	v35 =	vld.idx.msk [tilespmem:v35+s13+$0x0], $0xffff  }
0x169: {  	v61 =	vadd.s32 s22, v22;
	v26 =	vmul.f32 v26, v34;
	[tilespmem:s21+$0xFFFFFFD0] =	vst v25;
	v25 =	vmul.f32 v28, v4;
	v34 =	vld.idx.msk [tilespmem:v38+s13+$0x0], $0xffff  }
0x16a: {  	v28 =	vadd.s32 s22, v23;
	v32 =	vld.idx.msk [tilespmem:v59+s3+$0x0], $0xffff  }
0x16b: {  	v33 =	vld.idx.msk [tilespmem:v60+s13+$0x0], $0xffff;
	v26 =	vmul.f32 v26, v19;
	v24 =	vmul.f32 v24, v27;
	v27 =	vadd.s32 s7, v8;
	[tilespmem:s4+$0x10] =	vst v25  }
0x16c: {  	v36 =	vadd.s32 s7, v9;
	s24 =	sadd.s32 $0x400, s21;
	v30 =	vld.idx.msk [tilespmem:v30+s3+$0x0], $0xffff  }
0x16d: {  	v37 =	vadd.s32 s23, v20;
	v31 =	vld.idx.msk [tilespmem:v31+s13+$0x0], $0xffff;
	[tilespmem:s24+$0xFFFFFFC0] =	vst v26;
	v24 =	vmul.f32 v24, v7  }
0x16e: {  	v26 =	vmul.f32 v35, v29;
	v29 =	vadd.s32 s8, v11;
	v39 =	vld.idx.msk [tilespmem:v61+s3+$0x0], $0xffff  }
0x16f: {  	v62 =	vadd.s32 s8, v12;
	v28 =	vld.idx.msk [tilespmem:v28+s13+$0x0], $0xffff;
	[tilespmem:s5+$0x0] =	vst v24  }
0x170: {  	v40 =	vadd.s32 s11, v14;
	v24 =	vmul.f32 v26, v10;
	v25 =	vld.idx.msk [tilespmem:v27+s3+$0x0], $0xffff;
	v27 =	vmul.f32 v33, v32  }
0x171: {  	v26 =	vld.idx.msk [tilespmem:v36+s13+$0x0], $0xffff;
	v32 =	vadd.s32 s11, v15  }
0x172: {  	v33 =	vld.idx.msk [tilespmem:v37+s3+$0x0], $0xffff;
	[tilespmem:s6+$0xFFFFFFF0] =	vst v24;
	v31 =	vmul.f32 v31, v30;
	v63 =	vmul.f32 v27, v13;
	v27 =	vadd.s32 s9, v2  }
0x173: {  	v24 =	vadd.s32 s9, v3;
	v29 =	vld.idx.msk [tilespmem:v29+s3+$0x0], $0xffff  }
0x174: {  	v35 =	vadd.s32 s22, v17;
	v30 =	vld.idx.msk [tilespmem:v62+s13+$0x0], $0xffff;
	v37 =	vmul.f32 v28, v39;
	v28 =	vmul.f32 v31, v1;
	[tilespmem:s21+$0xFFFFFFE0] =	vst v63  }
0x175: {  	s10 =	simm.s32 $0x3C6;
	s12 =	smov.u32 s24;
	v36 =	vadd.s32 s22, v18;
	s9 =	smov.u32 s4;
	v31 =	vld.idx.msk [tilespmem:v40+s3+$0x0], $0xffff  }
.LBB2_11:
0x176: {  	p0 =	sne.s32 s10, $0x8CE;
	v37 =	vmul.f32 v37, v16;
	v32 =	vld.idx.msk [tilespmem:v32+s13+$0x0], $0xffff;
	v25 =	vmul.f32 v26, v25;
	v26 =	vadd.s32 s7, v6;
	[tilespmem:s9+$0x20] =	vst v28  }
0x177: {  	v28 =	vadd.s32 s7, v5;
	v27 =	vld.idx.msk [tilespmem:v27+s3+$0x0], $0xffff  }
0x178: {  	v33 =	vmul.f32 v34, v33;
	v34 =	vadd.s32 s23, v22;
	[tilespmem:s24+$0xFFFFFFD0] =	vst v37;
	v25 =	vmul.f32 v25, v4;
	v24 =	vld.idx.msk [tilespmem:v24+s13+$0x0], $0xffff  }
0x179: {  	v37 =	vadd.s32 s23, v23;
	v35 =	vld.idx.msk [tilespmem:v35+s3+$0x0], $0xffff  }
0x17a: {  	v33 =	vmul.f32 v33, v19;
	v29 =	vmul.f32 v30, v29;
	v30 =	vadd.s32 s8, v8;
	v36 =	vld.idx.msk [tilespmem:v36+s13+$0x0], $0xffff;
	[tilespmem:s5+$0x10] =	vst v25  }
0x17b: {  	s25 =	sadd.s32 s10, s0;
	v38 =	vadd.s32 s8, v9;
	s24 =	sadd.s32 $0x400, s24;
	v39 =	vld.idx.msk [tilespmem:v26+s3+$0x0], $0xffff  }
0x17c: {  	v40 =	vadd.s32 s25, v20;
	v25 =	vmul.f32 v29, v7;
	[tilespmem:s24+$0xFFFFFFC0] =	vst v33;
	v28 =	vld.idx.msk [tilespmem:v28+s13+$0x0], $0xffff  }
0x17d: {  	v29 =	vadd.s32 s25, v21;
	v26 =	vmul.f32 v32, v31;
	v41 =	vld.idx.msk [tilespmem:v34+s3+$0x0], $0xffff  }
0x17e: {  	v24 =	vmul.f32 v24, v27;
	v31 =	vld.idx.msk [tilespmem:v37+s13+$0x0], $0xffff;
	v37 =	vadd.s32 s11, v11;
	[tilespmem:s6+$0x0] =	vst v25  }
0x17f: {  	v42 =	vadd.s32 s11, v12;
	v27 =	vmul.f32 v26, v10;
	v25 =	vld.idx.msk [tilespmem:v30+s3+$0x0], $0xffff  }
0x180: {  	v43 =	vadd.s32 s22, v14;
	v30 =	vmul.f32 v36, v35;
	v24 =	vmul.f32 v24, v0;
	v26 =	vld.idx.msk [tilespmem:v38+s13+$0x0], $0xffff  }
.Ltmp3:
0x181: {  	v32 =	vadd.s32 s22, v15;
	v33 =	vld.idx.msk [tilespmem:v40+s3+$0x0], $0xffff;
	[tilespmem:s21+$0xFFFFFFF0] =	vst v27;
	(pc) =	sbr.rel @p0 .LBB2_11-.Ltmp3, $4  }
0x182: {  	v30 =	vmul.f32 v30, v13;
	v28 =	vmul.f32 v28, v39;
	v27 =	vadd.s32 s7, v2;
	v34 =	vld.idx.msk [tilespmem:v29+s13+$0x0], $0xffff;
	[tilespmem:s9+$0x30] =	vst v24;
	s9 =	smov.u32 s5;
	s5 =	smov.u32 s6;
	s6 =	smov.u32 s21  }
0x183: {  	v24 =	vadd.s32 s7, v3;
	s7 =	smov.u32 s8;
	s8 =	smov.u32 s11;
	s11 =	smov.u32 s22;
	v29 =	vld.idx.msk [tilespmem:v37+s3+$0x0], $0xffff  }
0x184: {  	v35 =	vadd.s32 s23, v17;
	s22 =	smov.u32 s23;
	s23 =	smov.u32 s25;
	s21 =	smov.u32 s12;
	v37 =	vmul.f32 v31, v41;
	v28 =	vmul.f32 v28, v1;
	[tilespmem:s12+$0xFFFFFFE0] =	vst v30;
	v30 =	vld.idx.msk [tilespmem:v42+s13+$0x0], $0xffff  }
0x185: {  	s10 =	sadd.s32 $0xA1, s10;
	v36 =	vadd.s32 s22, v18;
	s12 =	smov.u32 s24;
	v31 =	vld.idx.msk [tilespmem:v43+s3+$0x0], $0xffff  }
0x186: {  	_ = 	snop  }
0x187: {  	v21 =	vadd.s32 s23, v22;
	v20 =	vmul.f32 v34, v33  }
0x188: {  	v43 =	vadd.s32 s23, v23  }
0x189: {  	v19 =	vmul.f32 v20, v19  }
0x18a: {  	s10 =	sadd.s32 $0x400, s24  }
0x18b: {  	[tilespmem:s10+$0xFFFFFFC0] =	vst v19  }
0x18c: {  	v19 =	vld.idx.msk [tilespmem:v21+s3+$0x0], $0xffff  }
0x18d: {  	v44 =	vld.idx.msk [tilespmem:v43+s13+$0x0], $0xffff;
	_ =	sdelay $0x4  }
0x18e: {  	v45 =	vmul.f32 v37, v16;
	v17 =	vadd.s32 s23, v17;
	v19 =	vmul.f32 v44, v19  }
0x18f: {  	v18 =	vadd.s32 s23, v18  }
0x190: {  	[tilespmem:s24+$0xFFFFFFD0] =	vst v45;
	v46 =	vmul.f32 v19, v16  }
0x191: {  	v47 =	vld.idx.msk [tilespmem:v35+s3+$0x0], $0xffff  }
0x192: {  	v48 =	vld.idx.msk [tilespmem:v36+s13+$0x0], $0xffff;
	[tilespmem:s10+$0xFFFFFFD0] =	vst v46  }
0x193: {  	v16 =	vld.idx.msk [tilespmem:v17+s3+$0x0], $0xffff  }
0x194: {  	v49 =	vld.idx.msk [tilespmem:v18+s13+$0x0], $0xffff;
	_ =	sdelay $0x2  }
0x195: {  	v51 =	vadd.s32 s22, v14;
	v55 =	vld.idx.msk [tilespmem:v32+s13+$0x0], $0xffff;
	v50 =	vmul.f32 v48, v47  }
0x196: {  	v52 =	vadd.s32 s22, v15  }
0x197: {  	v53 =	vadd.s32 s23, v14;
	v18 =	vmul.f32 v50, v13;
	v16 =	vmul.f32 v49, v16  }
0x198: {  	v54 =	vadd.s32 s23, v15  }
0x199: {  	[tilespmem:s12+$0xFFFFFFE0] =	vst v18;
	v56 =	vmul.f32 v16, v13  }
0x19a: {  	v60 =	vadd.s32 s11, v11;
	v59 =	vmul.f32 v55, v31;
	v57 =	vld.idx.msk [tilespmem:v51+s3+$0x0], $0xffff  }
0x19b: {  	v61 =	vadd.s32 s11, v12;
	v18 =	vld.idx.msk [tilespmem:v52+s13+$0x0], $0xffff;
	[tilespmem:s10+$0xFFFFFFE0] =	vst v56  }
0x19c: {  	v15 =	vmul.f32 v59, v10;
	v13 =	vld.idx.msk [tilespmem:v53+s3+$0x0], $0xffff  }
0x19d: {  	v58 =	vld.idx.msk [tilespmem:v54+s13+$0x0], $0xffff  }
0x19e: {  	[tilespmem:s21+$0xFFFFFFF0] =	vst v15  }
0x19f: {  	v32 =	vld.idx.msk [tilespmem:v60+s3+$0x0], $0xffff  }
0x1a0: {  	v62 =	vadd.s32 s22, v11;
	v34 =	vld.idx.msk [tilespmem:v61+s13+$0x0], $0xffff;
	v16 =	vmul.f32 v18, v57  }
0x1a1: {  	v63 =	vadd.s32 s22, v12  }
0x1a2: {  	v31 =	vadd.s32 s23, v11;
	v23 =	vmul.f32 v16, v10;
	v13 =	vmul.f32 v58, v13  }
0x1a3: {  	v33 =	vadd.s32 s23, v12  }
0x1a4: {  	[tilespmem:s12+$0xFFFFFFF0] =	vst v23;
	v35 =	vmul.f32 v13, v10  }
0x1a5: {  	v40 =	vadd.s32 s11, v8;
	v14 =	vmul.f32 v34, v32;
	v36 =	vld.idx.msk [tilespmem:v62+s3+$0x0], $0xffff  }
0x1a6: {  	v41 =	vadd.s32 s11, v9;
	v15 =	vld.idx.msk [tilespmem:v63+s13+$0x0], $0xffff;
	[tilespmem:s10+$0xFFFFFFF0] =	vst v35  }
0x1a7: {  	v42 =	vmul.f32 v14, v7;
	v11 =	vld.idx.msk [tilespmem:v31+s3+$0x0], $0xffff  }
0x1a8: {  	v12 =	vld.idx.msk [tilespmem:v33+s13+$0x0], $0xffff  }
0x1a9: {  	v38 =	vadd.s32 s8, v8;
	v37 =	vmul.f32 v30, v29;
	[tilespmem:s21+$0x0] =	vst v42  }
0x1aa: {  	v39 =	vadd.s32 s8, v9;
	v48 =	vld.idx.msk [tilespmem:v40+s3+$0x0], $0xffff  }
0x1ab: {  	v43 =	vadd.s32 s22, v8;
	v50 =	vld.idx.msk [tilespmem:v41+s13+$0x0], $0xffff;
	v10 =	vmul.f32 v37, v7;
	v13 =	vmul.f32 v15, v36  }
0x1ac: {  	v45 =	vadd.s32 s22, v9  }
0x1ad: {  	v47 =	vadd.s32 s23, v8;
	[tilespmem:s6+$0x0] =	vst v10;
	v46 =	vmul.f32 v13, v7;
	v11 =	vmul.f32 v12, v11  }
0x1ae: {  	v49 =	vadd.s32 s23, v9;
	v44 =	vld.idx.msk [tilespmem:v38+s3+$0x0], $0xffff  }
0x1af: {  	v18 =	vld.idx.msk [tilespmem:v39+s13+$0x0], $0xffff;
	[tilespmem:s12+$0x0] =	vst v46;
	v51 =	vmul.f32 v11, v7  }
0x1b0: {  	v61 =	vmul.f32 v50, v48;
	v62 =	vadd.s32 s11, v6;
	v14 =	vld.idx.msk [tilespmem:v43+s3+$0x0], $0xffff  }
0x1b1: {  	v63 =	vadd.s32 s11, v5;
	v17 =	vld.idx.msk [tilespmem:v45+s13+$0x0], $0xffff;
	[tilespmem:s10+$0x0] =	vst v51  }
0x1b2: {  	v52 =	vmul.f32 v26, v25;
	v54 =	vadd.s32 s7, v5;
	v21 =	vmul.f32 v61, v4;
	v8 =	vld.idx.msk [tilespmem:v47+s3+$0x0], $0xffff  }
0x1b3: {  	[tilespmem:s9+$0x20] =	vst v28;
	v53 =	vadd.s32 s7, v6;
	v9 =	vld.idx.msk [tilespmem:v49+s13+$0x0], $0xffff  }
0x1b4: {  	v59 =	vld.idx.msk [tilespmem:v27+s3+$0x0], $0xffff;
	v55 =	vmul.f32 v52, v4;
	v57 =	vadd.s32 s8, v6;
	[tilespmem:s21+$0x10] =	vst v21;
	v56 =	vmul.f32 v18, v44  }
0x1b5: {  	v58 =	vadd.s32 s8, v5;
	v28 =	vld.idx.msk [tilespmem:v62+s3+$0x0], $0xffff  }
0x1b6: {  	[tilespmem:s5+$0x10] =	vst v55;
	v23 =	vadd.s32 s22, v6;
	v30 =	vld.idx.msk [tilespmem:v63+s13+$0x0], $0xffff;
	v60 =	vmul.f32 v56, v4;
	v22 =	vmul.f32 v17, v14  }
0x1b7: {  	v25 =	vadd.s32 s22, v5;
	v16 =	vld.idx.msk [tilespmem:v54+s13+$0x0], $0xffff  }
0x1b8: {  	v27 =	vadd.s32 s23, v6;
	v11 =	vld.idx.msk [tilespmem:v53+s3+$0x0], $0xffff;
	[tilespmem:s6+$0x10] =	vst v60;
	v26 =	vmul.f32 v22, v4;
	v8 =	vmul.f32 v9, v8  }
0x1b9: {  	v29 =	vadd.s32 s23, v5;
	v15 =	vld.idx.msk [tilespmem:v57+s3+$0x0], $0xffff  }
0x1ba: {  	v18 =	vld.idx.msk [tilespmem:v58+s13+$0x0], $0xffff;
	[tilespmem:s12+$0x10] =	vst v26;
	v31 =	vmul.f32 v8, v4  }
0x1bb: {  	v43 =	vmul.f32 v30, v28;
	v45 =	vadd.s32 s11, v3;
	v34 =	vld.idx.msk [tilespmem:v23+s3+$0x0], $0xffff  }
0x1bc: {  	v44 =	vadd.s32 s11, v2;
	v36 =	vld.idx.msk [tilespmem:v25+s13+$0x0], $0xffff;
	[tilespmem:s10+$0x10] =	vst v31  }
0x1bd: {  	v33 =	vadd.s32 s7, v2;
	v46 =	vmul.f32 v43, v1;
	v32 =	vmul.f32 v16, v11;
	v6 =	vld.idx.msk [tilespmem:v27+s3+$0x0], $0xffff  }
0x1be: {  	v35 =	vadd.s32 s7, v3;
	v5 =	vld.idx.msk [tilespmem:v29+s13+$0x0], $0xffff  }
0x1bf: {  	v41 =	vld.idx.msk [tilespmem:v24+s13+$0x0], $0xffff;
	v39 =	vadd.s32 s8, v2;
	[tilespmem:s21+$0x20] =	vst v46;
	v37 =	vmul.f32 v32, v1;
	v38 =	vmul.f32 v18, v15  }
0x1c0: {  	v40 =	vadd.s32 s8, v3;
	v55 =	vld.idx.msk [tilespmem:v45+s13+$0x0], $0xffff  }
0x1c1: {  	v48 =	vadd.s32 s22, v2;
	v53 =	vld.idx.msk [tilespmem:v44+s3+$0x0], $0xffff;
	[tilespmem:s5+$0x20] =	vst v37;
	v42 =	vmul.f32 v38, v1;
	v47 =	vmul.f32 v36, v34  }
0x1c2: {  	v50 =	vadd.s32 s22, v3;
	v8 =	vld.idx.msk [tilespmem:v33+s3+$0x0], $0xffff  }
0x1c3: {  	v52 =	vadd.s32 s23, v2;
	v12 =	vld.idx.msk [tilespmem:v35+s13+$0x0], $0xffff;
	[tilespmem:s6+$0x20] =	vst v42;
	v51 =	vmul.f32 v47, v1;
	v5 =	vmul.f32 v5, v6  }
0x1c4: {  	v54 =	vadd.s32 s23, v3;
	v49 =	vld.idx.msk [tilespmem:v39+s3+$0x0], $0xffff  }
0x1c5: {  	v15 =	vld.idx.msk [tilespmem:v40+s13+$0x0], $0xffff;
	[tilespmem:s12+$0x20] =	vst v51;
	v56 =	vmul.f32 v5, v1  }
0x1c6: {  	v4 =	vld.idx.msk [tilespmem:v48+s3+$0x0], $0xffff  }
0x1c7: {  	v57 =	vld.idx.msk [tilespmem:v50+s13+$0x0], $0xffff;
	[tilespmem:s10+$0x20] =	vst v56  }
0x1c8: {  	v1 =	vld.idx.msk [tilespmem:v52+s3+$0x0], $0xffff  }
0x1c9: {  	v58 =	vmul.f32 v41, v59;
	v3 =	vld.idx.msk [tilespmem:v54+s13+$0x0], $0xffff  }
0x1ca: {  	v8 =	vmul.f32 v12, v8  }
0x1cb: {  	v2 =	vmul.f32 v58, v0;
	v59 =	vmul.f32 v15, v49  }
0x1cc: {  	s16 =	sadd.s32 $0x1, s16;
	v8 =	vmul.f32 v8, v0;
	v6 =	vmul.f32 v55, v53  }
0x1cd: {  	p0 =	sne.s32 s16, $0x8;
	[tilespmem:s9+$0x30] =	vst v2;
	v60 =	vmul.f32 v59, v0;
	v4 =	vmul.f32 v57, v4  }
.Ltmp4:
0x1ce: {  	[tilespmem:s5+$0x30] =	vst v8;
	v61 =	vmul.f32 v6, v0;
	v1 =	vmul.f32 v3, v1;
	(pc) =	sbr.rel @p0 .LBB2_10-.Ltmp4, $4  }
0x1cf: {  	[tilespmem:s6+$0x30] =	vst v60;
	v62 =	vmul.f32 v4, v0  }
0x1d0: {  	[tilespmem:s21+$0x30] =	vst v61;
	v63 =	vmul.f32 v1, v0  }
0x1d1: {  	[tilespmem:s12+$0x30] =	vst v62  }
0x1d2: {  	s4 =	sadd.s32 $0x80, s4;
	[tilespmem:s10+$0x30] =	vst v63  }
0x1d3: {  	s1 =	sadd.s32 $0x1, s1  }
0x1d4: {  	s4 =	smul.u32 $0x3C000, s15;
	p0 =	sne.s32 s1, $0x5  }
.Ltmp5:
0x1d5: {  	_ = 	snop;
	(pc) =	sbr.rel @p0 .LBB2_5-.Ltmp5, $4  }
0x1d6: {  	s4 =	sadd.s32 s30, s4  }
0x1d7: {  	s4 =	sshrl.u32 s4, $0x3  }
0x1d8: {  	s31 =	sadd.s32 $0x12DE, s31;
	s0 =	sadd.s32 $0x12DE, s0;
	s4 =	sadd.s32 s2, s4  }
0x1d9: {  	[hbm4b:s4+s17] =	stream.strided.scatter [tilespmem:s20], [sflag:$0x2], $0x3C00, s18, s17, $0x38;
	[tilespmem:$0x1CD00] =	vst v63  }
0x1da: {  	s26 =	sadd.s32 $0x1, s26  }
0x1db: {  	p0 =	sne.s32 s26, $0x4  }
.Ltmp6:
0x1dc: {  	_ = 	snop;
	(pc) =	sbr.rel @p0 .LBB2_2-.Ltmp6, $4  }
0x1dd: {  	_ = 	snop  }
0x1de: {  	s5 =	rddreg [dreg:$0xe]  }
0x1df: {  	s4 =	rddreg [dreg:$0xf]  }
0x1e0: {  	s5 =	sadd.s32 $0x400, s5;
	s4 =	sadd.s32 $0x400, s4  }
0x1e1: {  	s0 =	simm.s32 $0x1  }
0x1e2: {  	_ =	swait.ge [sflag:s0], $0x3C00  }
0x1e3: {  	[sflag:s0] =	ssyncset.done $0x0  }
0x1e4: {  	s1 =	simm.s32 $0x2;
	[sflag:s0] =	ssyncadd.s32 $0xFFFFC400  }
0x1e5: {  	_ =	swait.ge [sflag:s1], $0x3C00  }
0x1e6: {  	s4 =	rddreg [dreg:$0xd]  }
0x1e7: {  	s31 =	rddreg [dreg:$0xc];
	s4 =	sadd.s32 $0x1, s4  }
0x1e8: {  	p0 =	sne.s32 s4, s31  }
.Ltmp7:
0x1e9: {  	_ = 	snop;
	(pc) =	sbr.rel @p0 .LBB2_1-.Ltmp7, $3  }
0x1ea: {  	_ =	sdelay $0x1  }
0x1eb: {  	[sflag:s1] =	ssyncset.done $0x0  }
0x1ec: {  	[sflag:s1] =	ssyncadd.s32 $0xFFFFC400  }
0x1ed: {  	_ =	sfence.sel $0x180000  }
0x1ee: {  	[bflag:$0x0] =	sbarrier.arrive $0xFFFF  }
0x1ef: {  	_ =	strace $0x90000047  }
0x1f0: {  	s0 =	stileid.u32;
	[bflag:$0x2] =	sbarrier.arrive $0xFFFF  }
0x1f1: {  	p0 =	sne.s32 s0, $0x0;
	s0 =	rddreg [dreg:$0x4]  }
0x1f2: {  	s0 =	sadd.s32 @!p0 $0x100000, s0  }
0x1f3: {  	[sflag:s0] =	ssyncadd.tile.s32 @!p0 $0x1;
	_ =	shalt  }
.Lfunc_end2:
_tile_overlayer_lowered:
.L_overlay_start_2:
0x1f4: {  	(tag) =	ssettag $0x2  }
0x1f5: {  	s0 =	rddreg [dreg:$0x0];
	s2 =	stileid.u32  }
0x1f6: {  	s1 =	rddreg [dreg:$0x1];
	p0 =	sne.s32 s2, $0x0  }
0x1f7: {  	s3 =	rddreg [dreg:$0x2];
	[bflag:$0x3] =	sbarrier.arrive $0xFFFF;
	s2 =	simm.s32 @!p0 $0x1C03  }
0x1f8: {  	[timem:s3], [sflag:s2] =	dma.local @!p0 [hbm:s0], s1  }
0x1f9: {  	s0 =	simm.s32 @!p0 $0x3  }
0x1fa: {  	_ =	swait.ge @!p0 [sflag:s0], s1  }
0x1fb: {  	s1 =	ssub.s32 @!p0 $0x0, s1;
	[sflag:s0] =	ssyncset.done @!p0 $0x0  }
0x1fc: {  	[sflag:s0] =	ssyncadd.s32 @!p0 s1  }
0x1fd: {  	[bflag:$0x3] =	sbarrier.arrive $0xFFFF  }
0x1fe: {  	_ =	shalt  }

</sc_bundles>
